<compile_context>
chip_gen: v7x
topology: tpu7x:2x2x1
jax: 0.10.2.dev20260603
libtpu: 0.0.44.dev20260713+nightly
codegen_flags: <defaults>
</compile_context>

<pallas_src>
import functools

import jax
import jax.numpy as jnp
from jax import lax
from jax.experimental import pallas as pl
from jax.experimental.pallas import tpu as pltpu
from jax.experimental.pallas import tpu_sc as plsc

_LAMBDA = 0.1
_STEP = 2.0 / 15.0

_NC, _NS, _L = 2, 16, 16
_NW = _NC * _NS


def _quantize(v):
    c = jnp.clip(v, -_LAMBDA, _LAMBDA)
    s = v - c
    t = jnp.clip(s * 7.5 + 8.0, 0.5, 15.5)
    f = t.astype(jnp.int32).astype(jnp.float32)
    q = f * _STEP - 1.0
    return jnp.where(jnp.abs(s) < 1e-6, 0.0, q)


def _make_sc_call(shape):
    b, r, c = shape
    rows = 128
    bpw = b // _NW
    cpb = r // rows
    nch = bpw * cpb
    npair = nch // 2
    cvec = c // _L

    @functools.partial(
        pl.kernel,
        mesh=plsc.VectorSubcoreMesh(core_axis_name="c", subcore_axis_name="s"),
        out_type=jax.ShapeDtypeStruct(shape, jnp.float32),
        scratch_types=[
            pltpu.VMEM((rows, c), jnp.float32),
            pltpu.VMEM((rows, c), jnp.float32),
            pltpu.VMEM((rows, c), jnp.float32),
            pltpu.VMEM((rows, c), jnp.float32),
            pltpu.SemaphoreType.DMA,
            pltpu.SemaphoreType.DMA,
            pltpu.SemaphoreType.DMA,
            pltpu.SemaphoreType.DMA,
        ],
    )
    def sc_quantize(x_hbm, o_hbm, in0, in1, out0, out1, si0, si1, so0, so1):
        wid = lax.axis_index("s") * _NC + lax.axis_index("c")
        ins, outs = (in0, in1), (out0, out1)
        sis, sos = (si0, si1), (so0, so1)

        def addr(ci):
            bi = wid * bpw + lax.shift_right_logical(ci, 3)
            r0 = lax.bitwise_and(ci, 7) * rows
            return bi, r0

        def in_copy(ci, bf):
            bi, r0 = addr(ci)
            return pltpu.make_async_copy(
                x_hbm.at[bi, pl.ds(r0, rows), :], ins[bf], sis[bf])

        def out_copy(ci, bf):
            bi, r0 = addr(ci)
            return pltpu.make_async_copy(
                outs[bf], o_hbm.at[bi, pl.ds(r0, rows), :], sos[bf])

        def compute(bf):
            def body(i, carry):
                for k in range(2):
                    for u in range(cvec):
                        v = ins[bf][i * 2 + k, pl.ds(u * _L, _L)]
                        outs[bf][i * 2 + k, pl.ds(u * _L, _L)] = _quantize(v)
                return carry

            lax.fori_loop(0, rows // 2, body, 0)

        in_copy(0, 0).start()
        in_copy(1, 1).start()

        def pair(p, carry):
            for bf in range(2):
                ci = p * 2 + bf
                in_copy(ci, bf).wait()

                @pl.when(p > 0)
                def _():
                    out_copy(ci, bf).wait()

                compute(bf)
                out_copy(ci, bf).start()

                @pl.when(p < npair - 1)
                def _():
                    in_copy(ci + 2, bf).start()

            return carry

        lax.fori_loop(0, npair, pair, 0)
        out_copy(nch - 2, 0).wait()
        out_copy(nch - 1, 1).wait()

    return sc_quantize


_SC_CALL_CACHE = {}


def kernel(x):
    if x.shape not in _SC_CALL_CACHE:
        _SC_CALL_CACHE[x.shape] = _make_sc_call(x.shape)
    return _SC_CALL_CACHE[x.shape](x)

# --- scband reference (transcript-rebuilt; emitter-appended) ---
"""Pipeline reference for scband-hybrid-lasso-quantizer-88304527606151 (READ-ONLY COPY).

The authoritative reference and input builder live on the scoring server;
editing this copy changes nothing except your own understanding.
"""

import jax, jax.numpy as jnp
import numpy as np

LEVELS = 16
LASSO_LAMBDA = 0.1
HARDENING_FACTOR = 1.0


def setup_inputs(seed: int = 0) -> dict:
    key = jax.random.key(seed)
    x = jax.random.normal(key, (64, 1024, 64), dtype=jnp.float32)
    return {"x": x}


def reference(x):
    # Lasso shrinkage (soft-threshold)
    effective_lambda = LASSO_LAMBDA * HARDENING_FACTOR
    x_abs = jnp.abs(x)
    mask = (x_abs > effective_lambda).astype(x.dtype)
    x_sparse = jnp.sign(x) * (x_abs - effective_lambda) * mask
    # Polytope (codebook) projection: nearest level in linspace(-1, 1, LEVELS)
    codebook = jnp.linspace(-1.0, 1.0, LEVELS).astype(x.dtype)
    shape = x_sparse.shape
    x_flat = x_sparse.reshape(-1, 1)
    dist = jnp.abs(x_flat - codebook.reshape(1, -1))
    idx = jnp.argmin(dist, axis=1)
    x_q = jnp.take(codebook, idx, axis=0).reshape(shape)
    zero_mask = jnp.abs(x_sparse) < 1e-06
    x_q = jnp.where(zero_mask, jnp.zeros_like(x_q), x_q)
    # Straight-through estimator
    return jax.lax.stop_gradient(x_q - x) + x

if __name__ == "__main__":
    import jax
    _d = setup_inputs()
    print(jax.jit(kernel)(*tuple(_d.values())))

</pallas_src>

<mosaic_0001>
#map = affine_map<(d0, d1) -> (0, 0, 0)>
module attributes {stable_mosaic.version = 14 : i64} {
  func.func @sc_quantize(%arg0: i32, %arg1: i32, %arg2: memref<64x1024x64xf32, #tpu.memory_space<hbm>>, %arg3: memref<64x1024x64xf32, #tpu.memory_space<hbm>>, %arg4: memref<128x64xf32, #tpu.memory_space<vmem>>, %arg5: memref<128x64xf32, #tpu.memory_space<vmem>>, %arg6: memref<128x64xf32, #tpu.memory_space<vmem>>, %arg7: memref<128x64xf32, #tpu.memory_space<vmem>>, %arg8: memref<!tpu.dma_semaphore, #tpu.memory_space<semaphore_mem>>, %arg9: memref<!tpu.dma_semaphore, #tpu.memory_space<semaphore_mem>>, %arg10: memref<!tpu.dma_semaphore, #tpu.memory_space<semaphore_mem>>, %arg11: memref<!tpu.dma_semaphore, #tpu.memory_space<semaphore_mem>>) attributes {dimension_semantics = [#tpu.dimension_semantics<core_parallel>, #tpu.dimension_semantics<subcore_parallel>], iteration_bounds = array<i64: 2, 16>, scalar_prefetch = 0 : i64, scratch_operands = 8 : i64, tpu.core_type = #tpu.core_type<sc_vector_subcore>, window_params = [{transform_indices = #map}, {transform_indices = #map}]} {
    %mul3A = arith.constant 2 : i32
    %mul3A_0 = arith.muli %arg1, %mul3A : i32
    %add3A = arith.addi %mul3A_0, %arg0 : i32
    %mul3A_1 = arith.constant 2 : i32
    %mul3A_2 = arith.muli %add3A, %mul3A_1 : i32
    %shift_right_logical3A = arith.constant 0 : i32
    %shift_right_logical3A_3 = arith.constant 3 : i32
    %shift_right_logical3A_4 = arith.shrui %shift_right_logical3A, %shift_right_logical3A_3 : i32
    %add3A_5 = arith.addi %mul3A_2, %shift_right_logical3A_4 : i32
    %and3A = arith.constant 0 : i32
    %and3A_6 = arith.constant 7 : i32
    %and3A_7 = arith.andi %and3A, %and3A_6 : i32
    %mul3A_8 = arith.constant 128 : i32
    %mul3A_9 = arith.muli %and3A_7, %mul3A_8 : i32
    %dma_start3A = arith.constant 0 : i32
    %dma_start3A_10 = tpu.memref_slice %arg2[%add3A_5, %mul3A_9, %dma_start3A] : memref<64x1024x64xf32, #tpu.memory_space<hbm>> -> memref<1x128x64xf32, #tpu.memory_space<hbm>>
    %dma_start3A_11 = tpu.memref_squeeze %dma_start3A_10 : memref<1x128x64xf32, #tpu.memory_space<hbm>> -> memref<128x64xf32, #tpu.memory_space<hbm>>
    %dma_start3A_12 = arith.constant 0 : i32
    %dma_start3A_13 = tpu.memref_slice %arg2[%add3A_5, %mul3A_9, %dma_start3A_12] : memref<64x1024x64xf32, #tpu.memory_space<hbm>> -> memref<1x128x64xf32, #tpu.memory_space<hbm>>
    %dma_start3A_14 = tpu.memref_squeeze %dma_start3A_13 : memref<1x128x64xf32, #tpu.memory_space<hbm>> -> memref<128x64xf32, #tpu.memory_space<hbm>>
    tpu.enqueue_dma source(%dma_start3A_14 : memref<128x64xf32, #tpu.memory_space<hbm>>) target(%arg4 : memref<128x64xf32, #tpu.memory_space<vmem>>) target_semaphore(%arg8 : memref<!tpu.dma_semaphore, #tpu.memory_space<semaphore_mem>>)
    %mul3A_15 = arith.constant 2 : i32
    %mul3A_16 = arith.muli %add3A, %mul3A_15 : i32
    %shift_right_logical3A_17 = arith.constant 1 : i32
    %shift_right_logical3A_18 = arith.constant 3 : i32
    %shift_right_logical3A_19 = arith.shrui %shift_right_logical3A_17, %shift_right_logical3A_18 : i32
    %add3A_20 = arith.addi %mul3A_16, %shift_right_logical3A_19 : i32
    %and3A_21 = arith.constant 1 : i32
    %and3A_22 = arith.constant 7 : i32
    %and3A_23 = arith.andi %and3A_21, %and3A_22 : i32
    %mul3A_24 = arith.constant 128 : i32
    %mul3A_25 = arith.muli %and3A_23, %mul3A_24 : i32
    %dma_start3A_26 = arith.constant 0 : i32
    %dma_start3A_27 = tpu.memref_slice %arg2[%add3A_20, %mul3A_25, %dma_start3A_26] : memref<64x1024x64xf32, #tpu.memory_space<hbm>> -> memref<1x128x64xf32, #tpu.memory_space<hbm>>
    %dma_start3A_28 = tpu.memref_squeeze %dma_start3A_27 : memref<1x128x64xf32, #tpu.memory_space<hbm>> -> memref<128x64xf32, #tpu.memory_space<hbm>>
    %dma_start3A_29 = arith.constant 0 : i32
    %dma_start3A_30 = tpu.memref_slice %arg2[%add3A_20, %mul3A_25, %dma_start3A_29] : memref<64x1024x64xf32, #tpu.memory_space<hbm>> -> memref<1x128x64xf32, #tpu.memory_space<hbm>>
    %dma_start3A_31 = tpu.memref_squeeze %dma_start3A_30 : memref<1x128x64xf32, #tpu.memory_space<hbm>> -> memref<128x64xf32, #tpu.memory_space<hbm>>
    tpu.enqueue_dma source(%dma_start3A_31 : memref<128x64xf32, #tpu.memory_space<hbm>>) target(%arg5 : memref<128x64xf32, #tpu.memory_space<vmem>>) target_semaphore(%arg9 : memref<!tpu.dma_semaphore, #tpu.memory_space<semaphore_mem>>)
    %scan3A = arith.constant 0 : i32
    %scan3A_32 = arith.constant 0 : i32
    %scan3A_33 = arith.constant 8 : i32
    %scan3A_34 = arith.addi %scan3A_32, %scan3A_33 : i32
    %scan3A_35 = arith.constant 1 : i32
    scf.for %scan3A_70 = %scan3A_32 to %scan3A_34 step %scan3A_35  : i32 {
      %mul3A_71 = arith.constant 2 : i32
      %mul3A_72 = arith.muli %scan3A_70, %mul3A_71 : i32
      %add3A_73 = arith.constant 0 : i32
      %add3A_74 = arith.addi %mul3A_72, %add3A_73 : i32
      %mul3A_75 = arith.constant 2 : i32
      %mul3A_76 = arith.muli %add3A, %mul3A_75 : i32
      %shift_right_logical3A_77 = arith.constant 3 : i32
      %shift_right_logical3A_78 = arith.shrui %add3A_74, %shift_right_logical3A_77 : i32
      %add3A_79 = arith.addi %mul3A_76, %shift_right_logical3A_78 : i32
      %and3A_80 = arith.constant 7 : i32
      %and3A_81 = arith.andi %add3A_74, %and3A_80 : i32
      %mul3A_82 = arith.constant 128 : i32
      %mul3A_83 = arith.muli %and3A_81, %mul3A_82 : i32
      %dma_wait3A_84 = arith.constant 0 : i32
      %dma_wait3A_85 = tpu.memref_slice %arg2[%add3A_79, %mul3A_83, %dma_wait3A_84] : memref<64x1024x64xf32, #tpu.memory_space<hbm>> -> memref<1x128x64xf32, #tpu.memory_space<hbm>>
      %dma_wait3A_86 = tpu.memref_squeeze %dma_wait3A_85 : memref<1x128x64xf32, #tpu.memory_space<hbm>> -> memref<128x64xf32, #tpu.memory_space<hbm>>
      %dma_wait3A_87 = arith.constant 0 : i32
      %dma_wait3A_88 = tpu.memref_slice %arg2[%add3A_79, %mul3A_83, %dma_wait3A_87] : memref<64x1024x64xf32, #tpu.memory_space<hbm>> -> memref<1x128x64xf32, #tpu.memory_space<hbm>>
      %dma_wait3A_89 = tpu.memref_squeeze %dma_wait3A_88 : memref<1x128x64xf32, #tpu.memory_space<hbm>> -> memref<128x64xf32, #tpu.memory_space<hbm>>
      tpu.wait_dma2 semaphore(%arg8 : memref<!tpu.dma_semaphore, #tpu.memory_space<semaphore_mem>>) src(%dma_wait3A_89 : memref<128x64xf32, #tpu.memory_space<hbm>>) dst(%arg4 : memref<128x64xf32, #tpu.memory_space<vmem>>)
      %gt3A = arith.constant 0 : i32
      %gt3A_90 = arith.cmpi sgt, %scan3A_70, %gt3A : i32
      %convert_element_type3A = arith.extui %gt3A_90 : i1 to i32
      %cond3A = arith.constant 0 : i32
      %cond3A_91 = arith.cmpi ne, %convert_element_type3A, %cond3A : i32
      scf.if %cond3A_91 {
        %mul3A_167 = arith.constant 2 : i32
        %mul3A_168 = arith.muli %add3A, %mul3A_167 : i32
        %shift_right_logical3A_169 = arith.constant 3 : i32
        %shift_right_logical3A_170 = arith.shrui %add3A_74, %shift_right_logical3A_169 : i32
        %add3A_171 = arith.addi %mul3A_168, %shift_right_logical3A_170 : i32
        %and3A_172 = arith.constant 7 : i32
        %and3A_173 = arith.andi %add3A_74, %and3A_172 : i32
        %mul3A_174 = arith.constant 128 : i32
        %mul3A_175 = arith.muli %and3A_173, %mul3A_174 : i32
        %dma_wait3A_176 = arith.constant 0 : i32
        %dma_wait3A_177 = tpu.memref_slice %arg3[%add3A_171, %mul3A_175, %dma_wait3A_176] : memref<64x1024x64xf32, #tpu.memory_space<hbm>> -> memref<1x128x64xf32, #tpu.memory_space<hbm>>
        %dma_wait3A_178 = tpu.memref_squeeze %dma_wait3A_177 : memref<1x128x64xf32, #tpu.memory_space<hbm>> -> memref<128x64xf32, #tpu.memory_space<hbm>>
        %dma_wait3A_179 = arith.constant 0 : i32
        %dma_wait3A_180 = tpu.memref_slice %arg3[%add3A_171, %mul3A_175, %dma_wait3A_179] : memref<64x1024x64xf32, #tpu.memory_space<hbm>> -> memref<1x128x64xf32, #tpu.memory_space<hbm>>
        %dma_wait3A_181 = tpu.memref_squeeze %dma_wait3A_180 : memref<1x128x64xf32, #tpu.memory_space<hbm>> -> memref<128x64xf32, #tpu.memory_space<hbm>>
        tpu.wait_dma2 semaphore(%arg10 : memref<!tpu.dma_semaphore, #tpu.memory_space<semaphore_mem>>) src(%arg6 : memref<128x64xf32, #tpu.memory_space<vmem>>) dst(%dma_wait3A_181 : memref<128x64xf32, #tpu.memory_space<hbm>>)
      } else {
      }
      %scan3A_92 = arith.constant 0 : i32
      %scan3A_93 = arith.constant 0 : i32
      %scan3A_94 = arith.constant 64 : i32
      %scan3A_95 = arith.addi %scan3A_93, %scan3A_94 : i32
      %scan3A_96 = arith.constant 1 : i32
      scf.for %scan3A_167 = %scan3A_93 to %scan3A_95 step %scan3A_96  : i32 {
        %mul3A_168 = arith.constant 2 : i32
        %mul3A_169 = arith.muli %scan3A_167, %mul3A_168 : i32
        %add3A_170 = arith.constant 0 : i32
        %add3A_171 = arith.addi %mul3A_169, %add3A_170 : i32
        %get3A = arith.index_cast %add3A_171 : i32 to index
        %get3A_172 = arith.constant 0 : index
        %get3A_173 = tpu.vector_load %arg4[%get3A, %get3A_172] {strides = array<i32>} : memref<128x64xf32, #tpu.memory_space<vmem>>, vector<1x16xf32>,
        %get3A_174 = vector.shape_cast %get3A_173 : vector<1x16xf32> to vector<16xf32>
        %jit3A = arith.constant -1.000000e-01 : f32
        %jit3A_175 = arith.constant 1.000000e-01 : f32
        %max3A = vector.broadcast %jit3A : f32 to vector<16xf32>
        %max3A_176 = arith.maximumf %max3A, %get3A_174 : vector<16xf32>
        %min3A = vector.broadcast %jit3A_175 : f32 to vector<16xf32>
        %min3A_177 = arith.minimumf %min3A, %max3A_176 : vector<16xf32>
        %sub3A = arith.subf %get3A_174, %min3A_177 : vector<16xf32>
        %mul3A_178 = arith.constant 7.500000e+00 : f32
        %mul3A_179 = vector.broadcast %mul3A_178 : f32 to vector<16xf32>
        %mul3A_180 = arith.mulf %sub3A, %mul3A_179 : vector<16xf32>
        %add3A_181 = arith.constant 8.000000e+00 : f32
        %add3A_182 = vector.broadcast %add3A_181 : f32 to vector<16xf32>
        %add3A_183 = arith.addf %mul3A_180, %add3A_182 : vector<16xf32>
        %jit3A_184 = arith.constant 5.000000e-01 : f32
        %jit3A_185 = arith.constant 1.550000e+01 : f32
        %max3A_186 = vector.broadcast %jit3A_184 : f32 to vector<16xf32>
        %max3A_187 = arith.maximumf %max3A_186, %add3A_183 : vector<16xf32>
        %min3A_188 = vector.broadcast %jit3A_185 : f32 to vector<16xf32>
        %min3A_189 = arith.minimumf %min3A_188, %max3A_187 : vector<16xf32>
        %convert_element_type3A_190 = arith.fptosi %min3A_189 : vector<16xf32> to vector<16xi32>
        %convert_element_type3A_191 = arith.sitofp %convert_element_type3A_190 : vector<16xi32> to vector<16xf32>
        %mul3A_192 = arith.constant 0.13333334 : f32
        %mul3A_193 = vector.broadcast %mul3A_192 : f32 to vector<16xf32>
        %mul3A_194 = arith.mulf %convert_element_type3A_191, %mul3A_193 : vector<16xf32>
        %sub3A_195 = arith.constant 1.000000e+00 : f32
        %sub3A_196 = vector.broadcast %sub3A_195 : f32 to vector<16xf32>
        %sub3A_197 = arith.subf %mul3A_194, %sub3A_196 : vector<16xf32>
        %abs3A = math.absf %sub3A : vector<16xf32>
        %lt3A_198 = arith.constant 9.99999997E-7 : f32
        %lt3A_199 = vector.broadcast %lt3A_198 : f32 to vector<16xf32>
        %lt3A_200 = arith.cmpf olt, %abs3A, %lt3A_199 : vector<16xf32>
        %jit3A_201 = arith.constant 0.000000e+00 : f32
        %broadcast_in_dim3A = vector.broadcast %jit3A_201 : f32 to vector<16xf32>
        %select_n3A = arith.select %lt3A_200, %broadcast_in_dim3A, %sub3A_197 : vector<16xi1>, vector<16xf32>
        %mul3A_202 = arith.constant 2 : i32
        %mul3A_203 = arith.muli %scan3A_167, %mul3A_202 : i32
        %add3A_204 = arith.constant 0 : i32
        %add3A_205 = arith.addi %mul3A_203, %add3A_204 : i32
        %swap3A = arith.index_cast %add3A_205 : i32 to index
        %swap3A_206 = arith.constant 0 : index
        %swap3A_207 = tpu.vector_load %arg6[%swap3A, %swap3A_206] {strides = array<i32>} : memref<128x64xf32, #tpu.memory_space<vmem>>, vector<1x16xf32>,
        %swap3A_208 = vector.shape_cast %swap3A_207 : vector<1x16xf32> to vector<16xf32>
        %swap3A_209 = vector.shape_cast %select_n3A : vector<16xf32> to vector<1x16xf32>
        tpu.vector_store %arg6[%swap3A, %swap3A_206], %swap3A_209 {strides = array<i32>} : memref<128x64xf32, #tpu.memory_space<vmem>>, vector<1x16xf32>,
        %mul3A_210 = arith.constant 2 : i32
        %mul3A_211 = arith.muli %scan3A_167, %mul3A_210 : i32
        %add3A_212 = arith.constant 0 : i32
        %add3A_213 = arith.addi %mul3A_211, %add3A_212 : i32
        %get3A_214 = arith.index_cast %add3A_213 : i32 to index
        %get3A_215 = arith.constant 16 : index
        %get3A_216 = tpu.vector_load %arg4[%get3A_214, %get3A_215] {strides = array<i32>} : memref<128x64xf32, #tpu.memory_space<vmem>>, vector<1x16xf32>,
        %get3A_217 = vector.shape_cast %get3A_216 : vector<1x16xf32> to vector<16xf32>
        %jit3A_218 = arith.constant -1.000000e-01 : f32
        %jit3A_219 = arith.constant 1.000000e-01 : f32
        %max3A_220 = vector.broadcast %jit3A_218 : f32 to vector<16xf32>
        %max3A_221 = arith.maximumf %max3A_220, %get3A_217 : vector<16xf32>
        %min3A_222 = vector.broadcast %jit3A_219 : f32 to vector<16xf32>
        %min3A_223 = arith.minimumf %min3A_222, %max3A_221 : vector<16xf32>
        %sub3A_224 = arith.subf %get3A_217, %min3A_223 : vector<16xf32>
        %mul3A_225 = arith.constant 7.500000e+00 : f32
        %mul3A_226 = vector.broadcast %mul3A_225 : f32 to vector<16xf32>
        %mul3A_227 = arith.mulf %sub3A_224, %mul3A_226 : vector<16xf32>
        %add3A_228 = arith.constant 8.000000e+00 : f32
        %add3A_229 = vector.broadcast %add3A_228 : f32 to vector<16xf32>
        %add3A_230 = arith.addf %mul3A_227, %add3A_229 : vector<16xf32>
        %jit3A_231 = arith.constant 5.000000e-01 : f32
        %jit3A_232 = arith.constant 1.550000e+01 : f32
        %max3A_233 = vector.broadcast %jit3A_231 : f32 to vector<16xf32>
        %max3A_234 = arith.maximumf %max3A_233, %add3A_230 : vector<16xf32>
        %min3A_235 = vector.broadcast %jit3A_232 : f32 to vector<16xf32>
        %min3A_236 = arith.minimumf %min3A_235, %max3A_234 : vector<16xf32>
        %convert_element_type3A_237 = arith.fptosi %min3A_236 : vector<16xf32> to vector<16xi32>
        %convert_element_type3A_238 = arith.sitofp %convert_element_type3A_237 : vector<16xi32> to vector<16xf32>
        %mul3A_239 = arith.constant 0.13333334 : f32
        %mul3A_240 = vector.broadcast %mul3A_239 : f32 to vector<16xf32>
        %mul3A_241 = arith.mulf %convert_element_type3A_238, %mul3A_240 : vector<16xf32>
        %sub3A_242 = arith.constant 1.000000e+00 : f32
        %sub3A_243 = vector.broadcast %sub3A_242 : f32 to vector<16xf32>
        %sub3A_244 = arith.subf %mul3A_241, %sub3A_243 : vector<16xf32>
        %abs3A_245 = math.absf %sub3A_224 : vector<16xf32>
        %lt3A_246 = arith.constant 9.99999997E-7 : f32
        %lt3A_247 = vector.broadcast %lt3A_246 : f32 to vector<16xf32>
        %lt3A_248 = arith.cmpf olt, %abs3A_245, %lt3A_247 : vector<16xf32>
        %jit3A_249 = arith.constant 0.000000e+00 : f32
        %broadcast_in_dim3A_250 = vector.broadcast %jit3A_249 : f32 to vector<16xf32>
        %select_n3A_251 = arith.select %lt3A_248, %broadcast_in_dim3A_250, %sub3A_244 : vector<16xi1>, vector<16xf32>
        %mul3A_252 = arith.constant 2 : i32
        %mul3A_253 = arith.muli %scan3A_167, %mul3A_252 : i32
        %add3A_254 = arith.constant 0 : i32
        %add3A_255 = arith.addi %mul3A_253, %add3A_254 : i32
        %swap3A_256 = arith.index_cast %add3A_255 : i32 to index
        %swap3A_257 = arith.constant 16 : index
        %swap3A_258 = tpu.vector_load %arg6[%swap3A_256, %swap3A_257] {strides = array<i32>} : memref<128x64xf32, #tpu.memory_space<vmem>>, vector<1x16xf32>,
        %swap3A_259 = vector.shape_cast %swap3A_258 : vector<1x16xf32> to vector<16xf32>
        %swap3A_260 = vector.shape_cast %select_n3A_251 : vector<16xf32> to vector<1x16xf32>
        tpu.vector_store %arg6[%swap3A_256, %swap3A_257], %swap3A_260 {strides = array<i32>} : memref<128x64xf32, #tpu.memory_space<vmem>>, vector<1x16xf32>,
        %mul3A_261 = arith.constant 2 : i32
        %mul3A_262 = arith.muli %scan3A_167, %mul3A_261 : i32
        %add3A_263 = arith.constant 0 : i32
        %add3A_264 = arith.addi %mul3A_262, %add3A_263 : i32
        %get3A_265 = arith.index_cast %add3A_264 : i32 to index
        %get3A_266 = arith.constant 32 : index
        %get3A_267 = tpu.vector_load %arg4[%get3A_265, %get3A_266] {strides = array<i32>} : memref<128x64xf32, #tpu.memory_space<vmem>>, vector<1x16xf32>,
        %get3A_268 = vector.shape_cast %get3A_267 : vector<1x16xf32> to vector<16xf32>
        %jit3A_269 = arith.constant -1.000000e-01 : f32
        %jit3A_270 = arith.constant 1.000000e-01 : f32
        %max3A_271 = vector.broadcast %jit3A_269 : f32 to vector<16xf32>
        %max3A_272 = arith.maximumf %max3A_271, %get3A_268 : vector<16xf32>
        %min3A_273 = vector.broadcast %jit3A_270 : f32 to vector<16xf32>
        %min3A_274 = arith.minimumf %min3A_273, %max3A_272 : vector<16xf32>
        %sub3A_275 = arith.subf %get3A_268, %min3A_274 : vector<16xf32>
        %mul3A_276 = arith.constant 7.500000e+00 : f32
        %mul3A_277 = vector.broadcast %mul3A_276 : f32 to vector<16xf32>
        %mul3A_278 = arith.mulf %sub3A_275, %mul3A_277 : vector<16xf32>
        %add3A_279 = arith.constant 8.000000e+00 : f32
        %add3A_280 = vector.broadcast %add3A_279 : f32 to vector<16xf32>
        %add3A_281 = arith.addf %mul3A_278, %add3A_280 : vector<16xf32>
        %jit3A_282 = arith.constant 5.000000e-01 : f32
        %jit3A_283 = arith.constant 1.550000e+01 : f32
        %max3A_284 = vector.broadcast %jit3A_282 : f32 to vector<16xf32>
        %max3A_285 = arith.maximumf %max3A_284, %add3A_281 : vector<16xf32>
        %min3A_286 = vector.broadcast %jit3A_283 : f32 to vector<16xf32>
        %min3A_287 = arith.minimumf %min3A_286, %max3A_285 : vector<16xf32>
        %convert_element_type3A_288 = arith.fptosi %min3A_287 : vector<16xf32> to vector<16xi32>
        %convert_element_type3A_289 = arith.sitofp %convert_element_type3A_288 : vector<16xi32> to vector<16xf32>
        %mul3A_290 = arith.constant 0.13333334 : f32
        %mul3A_291 = vector.broadcast %mul3A_290 : f32 to vector<16xf32>
        %mul3A_292 = arith.mulf %convert_element_type3A_289, %mul3A_291 : vector<16xf32>
        %sub3A_293 = arith.constant 1.000000e+00 : f32
        %sub3A_294 = vector.broadcast %sub3A_293 : f32 to vector<16xf32>
        %sub3A_295 = arith.subf %mul3A_292, %sub3A_294 : vector<16xf32>
        %abs3A_296 = math.absf %sub3A_275 : vector<16xf32>
        %lt3A_297 = arith.constant 9.99999997E-7 : f32
        %lt3A_298 = vector.broadcast %lt3A_297 : f32 to vector<16xf32>
        %lt3A_299 = arith.cmpf olt, %abs3A_296, %lt3A_298 : vector<16xf32>
        %jit3A_300 = arith.constant 0.000000e+00 : f32
        %broadcast_in_dim3A_301 = vector.broadcast %jit3A_300 : f32 to vector<16xf32>
        %select_n3A_302 = arith.select %lt3A_299, %broadcast_in_dim3A_301, %sub3A_295 : vector<16xi1>, vector<16xf32>
        %mul3A_303 = arith.constant 2 : i32
        %mul3A_304 = arith.muli %scan3A_167, %mul3A_303 : i32
        %add3A_305 = arith.constant 0 : i32
        %add3A_306 = arith.addi %mul3A_304, %add3A_305 : i32
        %swap3A_307 = arith.index_cast %add3A_306 : i32 to index
        %swap3A_308 = arith.constant 32 : index
        %swap3A_309 = tpu.vector_load %arg6[%swap3A_307, %swap3A_308] {strides = array<i32>} : memref<128x64xf32, #tpu.memory_space<vmem>>, vector<1x16xf32>,
        %swap3A_310 = vector.shape_cast %swap3A_309 : vector<1x16xf32> to vector<16xf32>
        %swap3A_311 = vector.shape_cast %select_n3A_302 : vector<16xf32> to vector<1x16xf32>
        tpu.vector_store %arg6[%swap3A_307, %swap3A_308], %swap3A_311 {strides = array<i32>} : memref<128x64xf32, #tpu.memory_space<vmem>>, vector<1x16xf32>,
        %mul3A_312 = arith.constant 2 : i32
        %mul3A_313 = arith.muli %scan3A_167, %mul3A_312 : i32
        %add3A_314 = arith.constant 0 : i32
        %add3A_315 = arith.addi %mul3A_313, %add3A_314 : i32
        %get3A_316 = arith.index_cast %add3A_315 : i32 to index
        %get3A_317 = arith.constant 48 : index
        %get3A_318 = tpu.vector_load %arg4[%get3A_316, %get3A_317] {strides = array<i32>} : memref<128x64xf32, #tpu.memory_space<vmem>>, vector<1x16xf32>,
        %get3A_319 = vector.shape_cast %get3A_318 : vector<1x16xf32> to vector<16xf32>
        %jit3A_320 = arith.constant -1.000000e-01 : f32
        %jit3A_321 = arith.constant 1.000000e-01 : f32
        %max3A_322 = vector.broadcast %jit3A_320 : f32 to vector<16xf32>
        %max3A_323 = arith.maximumf %max3A_322, %get3A_319 : vector<16xf32>
        %min3A_324 = vector.broadcast %jit3A_321 : f32 to vector<16xf32>
        %min3A_325 = arith.minimumf %min3A_324, %max3A_323 : vector<16xf32>
        %sub3A_326 = arith.subf %get3A_319, %min3A_325 : vector<16xf32>
        %mul3A_327 = arith.constant 7.500000e+00 : f32
        %mul3A_328 = vector.broadcast %mul3A_327 : f32 to vector<16xf32>
        %mul3A_329 = arith.mulf %sub3A_326, %mul3A_328 : vector<16xf32>
        %add3A_330 = arith.constant 8.000000e+00 : f32
        %add3A_331 = vector.broadcast %add3A_330 : f32 to vector<16xf32>
        %add3A_332 = arith.addf %mul3A_329, %add3A_331 : vector<16xf32>
        %jit3A_333 = arith.constant 5.000000e-01 : f32
        %jit3A_334 = arith.constant 1.550000e+01 : f32
        %max3A_335 = vector.broadcast %jit3A_333 : f32 to vector<16xf32>
        %max3A_336 = arith.maximumf %max3A_335, %add3A_332 : vector<16xf32>
        %min3A_337 = vector.broadcast %jit3A_334 : f32 to vector<16xf32>
        %min3A_338 = arith.minimumf %min3A_337, %max3A_336 : vector<16xf32>
        %convert_element_type3A_339 = arith.fptosi %min3A_338 : vector<16xf32> to vector<16xi32>
        %convert_element_type3A_340 = arith.sitofp %convert_element_type3A_339 : vector<16xi32> to vector<16xf32>
        %mul3A_341 = arith.constant 0.13333334 : f32
        %mul3A_342 = vector.broadcast %mul3A_341 : f32 to vector<16xf32>
        %mul3A_343 = arith.mulf %convert_element_type3A_340, %mul3A_342 : vector<16xf32>
        %sub3A_344 = arith.constant 1.000000e+00 : f32
        %sub3A_345 = vector.broadcast %sub3A_344 : f32 to vector<16xf32>
        %sub3A_346 = arith.subf %mul3A_343, %sub3A_345 : vector<16xf32>
        %abs3A_347 = math.absf %sub3A_326 : vector<16xf32>
        %lt3A_348 = arith.constant 9.99999997E-7 : f32
        %lt3A_349 = vector.broadcast %lt3A_348 : f32 to vector<16xf32>
        %lt3A_350 = arith.cmpf olt, %abs3A_347, %lt3A_349 : vector<16xf32>
        %jit3A_351 = arith.constant 0.000000e+00 : f32
        %broadcast_in_dim3A_352 = vector.broadcast %jit3A_351 : f32 to vector<16xf32>
        %select_n3A_353 = arith.select %lt3A_350, %broadcast_in_dim3A_352, %sub3A_346 : vector<16xi1>, vector<16xf32>
        %mul3A_354 = arith.constant 2 : i32
        %mul3A_355 = arith.muli %scan3A_167, %mul3A_354 : i32
        %add3A_356 = arith.constant 0 : i32
        %add3A_357 = arith.addi %mul3A_355, %add3A_356 : i32
        %swap3A_358 = arith.index_cast %add3A_357 : i32 to index
        %swap3A_359 = arith.constant 48 : index
        %swap3A_360 = tpu.vector_load %arg6[%swap3A_358, %swap3A_359] {strides = array<i32>} : memref<128x64xf32, #tpu.memory_space<vmem>>, vector<1x16xf32>,
        %swap3A_361 = vector.shape_cast %swap3A_360 : vector<1x16xf32> to vector<16xf32>
        %swap3A_362 = vector.shape_cast %select_n3A_353 : vector<16xf32> to vector<1x16xf32>
        tpu.vector_store %arg6[%swap3A_358, %swap3A_359], %swap3A_362 {strides = array<i32>} : memref<128x64xf32, #tpu.memory_space<vmem>>, vector<1x16xf32>,
        %mul3A_363 = arith.constant 2 : i32
        %mul3A_364 = arith.muli %scan3A_167, %mul3A_363 : i32
        %add3A_365 = arith.constant 1 : i32
        %add3A_366 = arith.addi %mul3A_364, %add3A_365 : i32
        %get3A_367 = arith.index_cast %add3A_366 : i32 to index
        %get3A_368 = arith.constant 0 : index
        %get3A_369 = tpu.vector_load %arg4[%get3A_367, %get3A_368] {strides = array<i32>} : memref<128x64xf32, #tpu.memory_space<vmem>>, vector<1x16xf32>,
        %get3A_370 = vector.shape_cast %get3A_369 : vector<1x16xf32> to vector<16xf32>
        %jit3A_371 = arith.constant -1.000000e-01 : f32
        %jit3A_372 = arith.constant 1.000000e-01 : f32
        %max3A_373 = vector.broadcast %jit3A_371 : f32 to vector<16xf32>
        %max3A_374 = arith.maximumf %max3A_373, %get3A_370 : vector<16xf32>
        %min3A_375 = vector.broadcast %jit3A_372 : f32 to vector<16xf32>
        %min3A_376 = arith.minimumf %min3A_375, %max3A_374 : vector<16xf32>
        %sub3A_377 = arith.subf %get3A_370, %min3A_376 : vector<16xf32>
        %mul3A_378 = arith.constant 7.500000e+00 : f32
        %mul3A_379 = vector.broadcast %mul3A_378 : f32 to vector<16xf32>
        %mul3A_380 = arith.mulf %sub3A_377, %mul3A_379 : vector<16xf32>
        %add3A_381 = arith.constant 8.000000e+00 : f32
        %add3A_382 = vector.broadcast %add3A_381 : f32 to vector<16xf32>
        %add3A_383 = arith.addf %mul3A_380, %add3A_382 : vector<16xf32>
        %jit3A_384 = arith.constant 5.000000e-01 : f32
        %jit3A_385 = arith.constant 1.550000e+01 : f32
        %max3A_386 = vector.broadcast %jit3A_384 : f32 to vector<16xf32>
        %max3A_387 = arith.maximumf %max3A_386, %add3A_383 : vector<16xf32>
        %min3A_388 = vector.broadcast %jit3A_385 : f32 to vector<16xf32>
        %min3A_389 = arith.minimumf %min3A_388, %max3A_387 : vector<16xf32>
        %convert_element_type3A_390 = arith.fptosi %min3A_389 : vector<16xf32> to vector<16xi32>
        %convert_element_type3A_391 = arith.sitofp %convert_element_type3A_390 : vector<16xi32> to vector<16xf32>
        %mul3A_392 = arith.constant 0.13333334 : f32
        %mul3A_393 = vector.broadcast %mul3A_392 : f32 to vector<16xf32>
        %mul3A_394 = arith.mulf %convert_element_type3A_391, %mul3A_393 : vector<16xf32>
        %sub3A_395 = arith.constant 1.000000e+00 : f32
        %sub3A_396 = vector.broadcast %sub3A_395 : f32 to vector<16xf32>
        %sub3A_397 = arith.subf %mul3A_394, %sub3A_396 : vector<16xf32>
        %abs3A_398 = math.absf %sub3A_377 : vector<16xf32>
        %lt3A_399 = arith.constant 9.99999997E-7 : f32
        %lt3A_400 = vector.broadcast %lt3A_399 : f32 to vector<16xf32>
        %lt3A_401 = arith.cmpf olt, %abs3A_398, %lt3A_400 : vector<16xf32>
        %jit3A_402 = arith.constant 0.000000e+00 : f32
        %broadcast_in_dim3A_403 = vector.broadcast %jit3A_402 : f32 to vector<16xf32>
        %select_n3A_404 = arith.select %lt3A_401, %broadcast_in_dim3A_403, %sub3A_397 : vector<16xi1>, vector<16xf32>
        %mul3A_405 = arith.constant 2 : i32
        %mul3A_406 = arith.muli %scan3A_167, %mul3A_405 : i32
        %add3A_407 = arith.constant 1 : i32
        %add3A_408 = arith.addi %mul3A_406, %add3A_407 : i32
        %swap3A_409 = arith.index_cast %add3A_408 : i32 to index
        %swap3A_410 = arith.constant 0 : index
        %swap3A_411 = tpu.vector_load %arg6[%swap3A_409, %swap3A_410] {strides = array<i32>} : memref<128x64xf32, #tpu.memory_space<vmem>>, vector<1x16xf32>,
        %swap3A_412 = vector.shape_cast %swap3A_411 : vector<1x16xf32> to vector<16xf32>
        %swap3A_413 = vector.shape_cast %select_n3A_404 : vector<16xf32> to vector<1x16xf32>
        tpu.vector_store %arg6[%swap3A_409, %swap3A_410], %swap3A_413 {strides = array<i32>} : memref<128x64xf32, #tpu.memory_space<vmem>>, vector<1x16xf32>,
        %mul3A_414 = arith.constant 2 : i32
        %mul3A_415 = arith.muli %scan3A_167, %mul3A_414 : i32
        %add3A_416 = arith.constant 1 : i32
        %add3A_417 = arith.addi %mul3A_415, %add3A_416 : i32
        %get3A_418 = arith.index_cast %add3A_417 : i32 to index
        %get3A_419 = arith.constant 16 : index
        %get3A_420 = tpu.vector_load %arg4[%get3A_418, %get3A_419] {strides = array<i32>} : memref<128x64xf32, #tpu.memory_space<vmem>>, vector<1x16xf32>,
        %get3A_421 = vector.shape_cast %get3A_420 : vector<1x16xf32> to vector<16xf32>
        %jit3A_422 = arith.constant -1.000000e-01 : f32
        %jit3A_423 = arith.constant 1.000000e-01 : f32
        %max3A_424 = vector.broadcast %jit3A_422 : f32 to vector<16xf32>
        %max3A_425 = arith.maximumf %max3A_424, %get3A_421 : vector<16xf32>
        %min3A_426 = vector.broadcast %jit3A_423 : f32 to vector<16xf32>
        %min3A_427 = arith.minimumf %min3A_426, %max3A_425 : vector<16xf32>
        %sub3A_428 = arith.subf %get3A_421, %min3A_427 : vector<16xf32>
        %mul3A_429 = arith.constant 7.500000e+00 : f32
        %mul3A_430 = vector.broadcast %mul3A_429 : f32 to vector<16xf32>
        %mul3A_431 = arith.mulf %sub3A_428, %mul3A_430 : vector<16xf32>
        %add3A_432 = arith.constant 8.000000e+00 : f32
        %add3A_433 = vector.broadcast %add3A_432 : f32 to vector<16xf32>
        %add3A_434 = arith.addf %mul3A_431, %add3A_433 : vector<16xf32>
        %jit3A_435 = arith.constant 5.000000e-01 : f32
        %jit3A_436 = arith.constant 1.550000e+01 : f32
        %max3A_437 = vector.broadcast %jit3A_435 : f32 to vector<16xf32>
        %max3A_438 = arith.maximumf %max3A_437, %add3A_434 : vector<16xf32>
        %min3A_439 = vector.broadcast %jit3A_436 : f32 to vector<16xf32>
        %min3A_440 = arith.minimumf %min3A_439, %max3A_438 : vector<16xf32>
        %convert_element_type3A_441 = arith.fptosi %min3A_440 : vector<16xf32> to vector<16xi32>
        %convert_element_type3A_442 = arith.sitofp %convert_element_type3A_441 : vector<16xi32> to vector<16xf32>
        %mul3A_443 = arith.constant 0.13333334 : f32
        %mul3A_444 = vector.broadcast %mul3A_443 : f32 to vector<16xf32>
        %mul3A_445 = arith.mulf %convert_element_type3A_442, %mul3A_444 : vector<16xf32>
        %sub3A_446 = arith.constant 1.000000e+00 : f32
        %sub3A_447 = vector.broadcast %sub3A_446 : f32 to vector<16xf32>
        %sub3A_448 = arith.subf %mul3A_445, %sub3A_447 : vector<16xf32>
        %abs3A_449 = math.absf %sub3A_428 : vector<16xf32>
        %lt3A_450 = arith.constant 9.99999997E-7 : f32
        %lt3A_451 = vector.broadcast %lt3A_450 : f32 to vector<16xf32>
        %lt3A_452 = arith.cmpf olt, %abs3A_449, %lt3A_451 : vector<16xf32>
        %jit3A_453 = arith.constant 0.000000e+00 : f32
        %broadcast_in_dim3A_454 = vector.broadcast %jit3A_453 : f32 to vector<16xf32>
        %select_n3A_455 = arith.select %lt3A_452, %broadcast_in_dim3A_454, %sub3A_448 : vector<16xi1>, vector<16xf32>
        %mul3A_456 = arith.constant 2 : i32
        %mul3A_457 = arith.muli %scan3A_167, %mul3A_456 : i32
        %add3A_458 = arith.constant 1 : i32
        %add3A_459 = arith.addi %mul3A_457, %add3A_458 : i32
        %swap3A_460 = arith.index_cast %add3A_459 : i32 to index
        %swap3A_461 = arith.constant 16 : index
        %swap3A_462 = tpu.vector_load %arg6[%swap3A_460, %swap3A_461] {strides = array<i32>} : memref<128x64xf32, #tpu.memory_space<vmem>>, vector<1x16xf32>,
        %swap3A_463 = vector.shape_cast %swap3A_462 : vector<1x16xf32> to vector<16xf32>
        %swap3A_464 = vector.shape_cast %select_n3A_455 : vector<16xf32> to vector<1x16xf32>
        tpu.vector_store %arg6[%swap3A_460, %swap3A_461], %swap3A_464 {strides = array<i32>} : memref<128x64xf32, #tpu.memory_space<vmem>>, vector<1x16xf32>,
        %mul3A_465 = arith.constant 2 : i32
        %mul3A_466 = arith.muli %scan3A_167, %mul3A_465 : i32
        %add3A_467 = arith.constant 1 : i32
        %add3A_468 = arith.addi %mul3A_466, %add3A_467 : i32
        %get3A_469 = arith.index_cast %add3A_468 : i32 to index
        %get3A_470 = arith.constant 32 : index
        %get3A_471 = tpu.vector_load %arg4[%get3A_469, %get3A_470] {strides = array<i32>} : memref<128x64xf32, #tpu.memory_space<vmem>>, vector<1x16xf32>,
        %get3A_472 = vector.shape_cast %get3A_471 : vector<1x16xf32> to vector<16xf32>
        %jit3A_473 = arith.constant -1.000000e-01 : f32
        %jit3A_474 = arith.constant 1.000000e-01 : f32
        %max3A_475 = vector.broadcast %jit3A_473 : f32 to vector<16xf32>
        %max3A_476 = arith.maximumf %max3A_475, %get3A_472 : vector<16xf32>
        %min3A_477 = vector.broadcast %jit3A_474 : f32 to vector<16xf32>
        %min3A_478 = arith.minimumf %min3A_477, %max3A_476 : vector<16xf32>
        %sub3A_479 = arith.subf %get3A_472, %min3A_478 : vector<16xf32>
        %mul3A_480 = arith.constant 7.500000e+00 : f32
        %mul3A_481 = vector.broadcast %mul3A_480 : f32 to vector<16xf32>
        %mul3A_482 = arith.mulf %sub3A_479, %mul3A_481 : vector<16xf32>
        %add3A_483 = arith.constant 8.000000e+00 : f32
        %add3A_484 = vector.broadcast %add3A_483 : f32 to vector<16xf32>
        %add3A_485 = arith.addf %mul3A_482, %add3A_484 : vector<16xf32>
        %jit3A_486 = arith.constant 5.000000e-01 : f32
        %jit3A_487 = arith.constant 1.550000e+01 : f32
        %max3A_488 = vector.broadcast %jit3A_486 : f32 to vector<16xf32>
        %max3A_489 = arith.maximumf %max3A_488, %add3A_485 : vector<16xf32>
        %min3A_490 = vector.broadcast %jit3A_487 : f32 to vector<16xf32>
        %min3A_491 = arith.minimumf %min3A_490, %max3A_489 : vector<16xf32>
        %convert_element_type3A_492 = arith.fptosi %min3A_491 : vector<16xf32> to vector<16xi32>
        %convert_element_type3A_493 = arith.sitofp %convert_element_type3A_492 : vector<16xi32> to vector<16xf32>
        %mul3A_494 = arith.constant 0.13333334 : f32
        %mul3A_495 = vector.broadcast %mul3A_494 : f32 to vector<16xf32>
        %mul3A_496 = arith.mulf %convert_element_type3A_493, %mul3A_495 : vector<16xf32>
        %sub3A_497 = arith.constant 1.000000e+00 : f32
        %sub3A_498 = vector.broadcast %sub3A_497 : f32 to vector<16xf32>
        %sub3A_499 = arith.subf %mul3A_496, %sub3A_498 : vector<16xf32>
        %abs3A_500 = math.absf %sub3A_479 : vector<16xf32>
        %lt3A_501 = arith.constant 9.99999997E-7 : f32
        %lt3A_502 = vector.broadcast %lt3A_501 : f32 to vector<16xf32>
        %lt3A_503 = arith.cmpf olt, %abs3A_500, %lt3A_502 : vector<16xf32>
        %jit3A_504 = arith.constant 0.000000e+00 : f32
        %broadcast_in_dim3A_505 = vector.broadcast %jit3A_504 : f32 to vector<16xf32>
        %select_n3A_506 = arith.select %lt3A_503, %broadcast_in_dim3A_505, %sub3A_499 : vector<16xi1>, vector<16xf32>
        %mul3A_507 = arith.constant 2 : i32
        %mul3A_508 = arith.muli %scan3A_167, %mul3A_507 : i32
        %add3A_509 = arith.constant 1 : i32
        %add3A_510 = arith.addi %mul3A_508, %add3A_509 : i32
        %swap3A_511 = arith.index_cast %add3A_510 : i32 to index
        %swap3A_512 = arith.constant 32 : index
        %swap3A_513 = tpu.vector_load %arg6[%swap3A_511, %swap3A_512] {strides = array<i32>} : memref<128x64xf32, #tpu.memory_space<vmem>>, vector<1x16xf32>,
        %swap3A_514 = vector.shape_cast %swap3A_513 : vector<1x16xf32> to vector<16xf32>
        %swap3A_515 = vector.shape_cast %select_n3A_506 : vector<16xf32> to vector<1x16xf32>
        tpu.vector_store %arg6[%swap3A_511, %swap3A_512], %swap3A_515 {strides = array<i32>} : memref<128x64xf32, #tpu.memory_space<vmem>>, vector<1x16xf32>,
        %mul3A_516 = arith.constant 2 : i32
        %mul3A_517 = arith.muli %scan3A_167, %mul3A_516 : i32
        %add3A_518 = arith.constant 1 : i32
        %add3A_519 = arith.addi %mul3A_517, %add3A_518 : i32
        %get3A_520 = arith.index_cast %add3A_519 : i32 to index
        %get3A_521 = arith.constant 48 : index
        %get3A_522 = tpu.vector_load %arg4[%get3A_520, %get3A_521] {strides = array<i32>} : memref<128x64xf32, #tpu.memory_space<vmem>>, vector<1x16xf32>,
        %get3A_523 = vector.shape_cast %get3A_522 : vector<1x16xf32> to vector<16xf32>
        %jit3A_524 = arith.constant -1.000000e-01 : f32
        %jit3A_525 = arith.constant 1.000000e-01 : f32
        %max3A_526 = vector.broadcast %jit3A_524 : f32 to vector<16xf32>
        %max3A_527 = arith.maximumf %max3A_526, %get3A_523 : vector<16xf32>
        %min3A_528 = vector.broadcast %jit3A_525 : f32 to vector<16xf32>
        %min3A_529 = arith.minimumf %min3A_528, %max3A_527 : vector<16xf32>
        %sub3A_530 = arith.subf %get3A_523, %min3A_529 : vector<16xf32>
        %mul3A_531 = arith.constant 7.500000e+00 : f32
        %mul3A_532 = vector.broadcast %mul3A_531 : f32 to vector<16xf32>
        %mul3A_533 = arith.mulf %sub3A_530, %mul3A_532 : vector<16xf32>
        %add3A_534 = arith.constant 8.000000e+00 : f32
        %add3A_535 = vector.broadcast %add3A_534 : f32 to vector<16xf32>
        %add3A_536 = arith.addf %mul3A_533, %add3A_535 : vector<16xf32>
        %jit3A_537 = arith.constant 5.000000e-01 : f32
        %jit3A_538 = arith.constant 1.550000e+01 : f32
        %max3A_539 = vector.broadcast %jit3A_537 : f32 to vector<16xf32>
        %max3A_540 = arith.maximumf %max3A_539, %add3A_536 : vector<16xf32>
        %min3A_541 = vector.broadcast %jit3A_538 : f32 to vector<16xf32>
        %min3A_542 = arith.minimumf %min3A_541, %max3A_540 : vector<16xf32>
        %convert_element_type3A_543 = arith.fptosi %min3A_542 : vector<16xf32> to vector<16xi32>
        %convert_element_type3A_544 = arith.sitofp %convert_element_type3A_543 : vector<16xi32> to vector<16xf32>
        %mul3A_545 = arith.constant 0.13333334 : f32
        %mul3A_546 = vector.broadcast %mul3A_545 : f32 to vector<16xf32>
        %mul3A_547 = arith.mulf %convert_element_type3A_544, %mul3A_546 : vector<16xf32>
        %sub3A_548 = arith.constant 1.000000e+00 : f32
        %sub3A_549 = vector.broadcast %sub3A_548 : f32 to vector<16xf32>
        %sub3A_550 = arith.subf %mul3A_547, %sub3A_549 : vector<16xf32>
        %abs3A_551 = math.absf %sub3A_530 : vector<16xf32>
        %lt3A_552 = arith.constant 9.99999997E-7 : f32
        %lt3A_553 = vector.broadcast %lt3A_552 : f32 to vector<16xf32>
        %lt3A_554 = arith.cmpf olt, %abs3A_551, %lt3A_553 : vector<16xf32>
        %jit3A_555 = arith.constant 0.000000e+00 : f32
        %broadcast_in_dim3A_556 = vector.broadcast %jit3A_555 : f32 to vector<16xf32>
        %select_n3A_557 = arith.select %lt3A_554, %broadcast_in_dim3A_556, %sub3A_550 : vector<16xi1>, vector<16xf32>
        %mul3A_558 = arith.constant 2 : i32
        %mul3A_559 = arith.muli %scan3A_167, %mul3A_558 : i32
        %add3A_560 = arith.constant 1 : i32
        %add3A_561 = arith.addi %mul3A_559, %add3A_560 : i32
        %swap3A_562 = arith.index_cast %add3A_561 : i32 to index
        %swap3A_563 = arith.constant 48 : index
        %swap3A_564 = tpu.vector_load %arg6[%swap3A_562, %swap3A_563] {strides = array<i32>} : memref<128x64xf32, #tpu.memory_space<vmem>>, vector<1x16xf32>,
        %swap3A_565 = vector.shape_cast %swap3A_564 : vector<1x16xf32> to vector<16xf32>
        %swap3A_566 = vector.shape_cast %select_n3A_557 : vector<16xf32> to vector<1x16xf32>
        tpu.vector_store %arg6[%swap3A_562, %swap3A_563], %swap3A_566 {strides = array<i32>} : memref<128x64xf32, #tpu.memory_space<vmem>>, vector<1x16xf32>,
      }
      %scan3A_97 = arith.constant 64 : i32
      %mul3A_98 = arith.constant 2 : i32
      %mul3A_99 = arith.muli %add3A, %mul3A_98 : i32
      %shift_right_logical3A_100 = arith.constant 3 : i32
      %shift_right_logical3A_101 = arith.shrui %add3A_74, %shift_right_logical3A_100 : i32
      %add3A_102 = arith.addi %mul3A_99, %shift_right_logical3A_101 : i32
      %and3A_103 = arith.constant 7 : i32
      %and3A_104 = arith.andi %add3A_74, %and3A_103 : i32
      %mul3A_105 = arith.constant 128 : i32
      %mul3A_106 = arith.muli %and3A_104, %mul3A_105 : i32
      %dma_start3A_107 = arith.constant 0 : i32
      %dma_start3A_108 = tpu.memref_slice %arg3[%add3A_102, %mul3A_106, %dma_start3A_107] : memref<64x1024x64xf32, #tpu.memory_space<hbm>> -> memref<1x128x64xf32, #tpu.memory_space<hbm>>
      %dma_start3A_109 = tpu.memref_squeeze %dma_start3A_108 : memref<1x128x64xf32, #tpu.memory_space<hbm>> -> memref<128x64xf32, #tpu.memory_space<hbm>>
      %dma_start3A_110 = arith.constant 0 : i32
      %dma_start3A_111 = tpu.memref_slice %arg3[%add3A_102, %mul3A_106, %dma_start3A_110] : memref<64x1024x64xf32, #tpu.memory_space<hbm>> -> memref<1x128x64xf32, #tpu.memory_space<hbm>>
      %dma_start3A_112 = tpu.memref_squeeze %dma_start3A_111 : memref<1x128x64xf32, #tpu.memory_space<hbm>> -> memref<128x64xf32, #tpu.memory_space<hbm>>
      tpu.enqueue_dma source(%arg6 : memref<128x64xf32, #tpu.memory_space<vmem>>) target(%dma_start3A_112 : memref<128x64xf32, #tpu.memory_space<hbm>>) target_semaphore(%arg10 : memref<!tpu.dma_semaphore, #tpu.memory_space<semaphore_mem>>)
      %lt3A = arith.constant 7 : i32
      %lt3A_113 = arith.cmpi slt, %scan3A_70, %lt3A : i32
      %convert_element_type3A_114 = arith.extui %lt3A_113 : i1 to i32
      %cond3A_115 = arith.constant 0 : i32
      %cond3A_116 = arith.cmpi ne, %convert_element_type3A_114, %cond3A_115 : i32
      scf.if %cond3A_116 {
        %add3A_167 = arith.constant 2 : i32
        %add3A_168 = arith.addi %add3A_74, %add3A_167 : i32
        %mul3A_169 = arith.constant 2 : i32
        %mul3A_170 = arith.muli %add3A, %mul3A_169 : i32
        %shift_right_logical3A_171 = arith.constant 3 : i32
        %shift_right_logical3A_172 = arith.shrui %add3A_168, %shift_right_logical3A_171 : i32
        %add3A_173 = arith.addi %mul3A_170, %shift_right_logical3A_172 : i32
        %and3A_174 = arith.constant 7 : i32
        %and3A_175 = arith.andi %add3A_168, %and3A_174 : i32
        %mul3A_176 = arith.constant 128 : i32
        %mul3A_177 = arith.muli %and3A_175, %mul3A_176 : i32
        %dma_start3A_178 = arith.constant 0 : i32
        %dma_start3A_179 = tpu.memref_slice %arg2[%add3A_173, %mul3A_177, %dma_start3A_178] : memref<64x1024x64xf32, #tpu.memory_space<hbm>> -> memref<1x128x64xf32, #tpu.memory_space<hbm>>
        %dma_start3A_180 = tpu.memref_squeeze %dma_start3A_179 : memref<1x128x64xf32, #tpu.memory_space<hbm>> -> memref<128x64xf32, #tpu.memory_space<hbm>>
        %dma_start3A_181 = arith.constant 0 : i32
        %dma_start3A_182 = tpu.memref_slice %arg2[%add3A_173, %mul3A_177, %dma_start3A_181] : memref<64x1024x64xf32, #tpu.memory_space<hbm>> -> memref<1x128x64xf32, #tpu.memory_space<hbm>>
        %dma_start3A_183 = tpu.memref_squeeze %dma_start3A_182 : memref<1x128x64xf32, #tpu.memory_space<hbm>> -> memref<128x64xf32, #tpu.memory_space<hbm>>
        tpu.enqueue_dma source(%dma_start3A_183 : memref<128x64xf32, #tpu.memory_space<hbm>>) target(%arg4 : memref<128x64xf32, #tpu.memory_space<vmem>>) target_semaphore(%arg8 : memref<!tpu.dma_semaphore, #tpu.memory_space<semaphore_mem>>)
      } else {
      }
      %mul3A_117 = arith.constant 2 : i32
      %mul3A_118 = arith.muli %scan3A_70, %mul3A_117 : i32
      %add3A_119 = arith.constant 1 : i32
      %add3A_120 = arith.addi %mul3A_118, %add3A_119 : i32
      %mul3A_121 = arith.constant 2 : i32
      %mul3A_122 = arith.muli %add3A, %mul3A_121 : i32
      %shift_right_logical3A_123 = arith.constant 3 : i32
      %shift_right_logical3A_124 = arith.shrui %add3A_120, %shift_right_logical3A_123 : i32
      %add3A_125 = arith.addi %mul3A_122, %shift_right_logical3A_124 : i32
      %and3A_126 = arith.constant 7 : i32
      %and3A_127 = arith.andi %add3A_120, %and3A_126 : i32
      %mul3A_128 = arith.constant 128 : i32
      %mul3A_129 = arith.muli %and3A_127, %mul3A_128 : i32
      %dma_wait3A_130 = arith.constant 0 : i32
      %dma_wait3A_131 = tpu.memref_slice %arg2[%add3A_125, %mul3A_129, %dma_wait3A_130] : memref<64x1024x64xf32, #tpu.memory_space<hbm>> -> memref<1x128x64xf32, #tpu.memory_space<hbm>>
      %dma_wait3A_132 = tpu.memref_squeeze %dma_wait3A_131 : memref<1x128x64xf32, #tpu.memory_space<hbm>> -> memref<128x64xf32, #tpu.memory_space<hbm>>
      %dma_wait3A_133 = arith.constant 0 : i32
      %dma_wait3A_134 = tpu.memref_slice %arg2[%add3A_125, %mul3A_129, %dma_wait3A_133] : memref<64x1024x64xf32, #tpu.memory_space<hbm>> -> memref<1x128x64xf32, #tpu.memory_space<hbm>>
      %dma_wait3A_135 = tpu.memref_squeeze %dma_wait3A_134 : memref<1x128x64xf32, #tpu.memory_space<hbm>> -> memref<128x64xf32, #tpu.memory_space<hbm>>
      tpu.wait_dma2 semaphore(%arg9 : memref<!tpu.dma_semaphore, #tpu.memory_space<semaphore_mem>>) src(%dma_wait3A_135 : memref<128x64xf32, #tpu.memory_space<hbm>>) dst(%arg5 : memref<128x64xf32, #tpu.memory_space<vmem>>)
      %gt3A_136 = arith.constant 0 : i32
      %gt3A_137 = arith.cmpi sgt, %scan3A_70, %gt3A_136 : i32
      %convert_element_type3A_138 = arith.extui %gt3A_137 : i1 to i32
      %cond3A_139 = arith.constant 0 : i32
      %cond3A_140 = arith.cmpi ne, %convert_element_type3A_138, %cond3A_139 : i32
      scf.if %cond3A_140 {
        %mul3A_167 = arith.constant 2 : i32
        %mul3A_168 = arith.muli %add3A, %mul3A_167 : i32
        %shift_right_logical3A_169 = arith.constant 3 : i32
        %shift_right_logical3A_170 = arith.shrui %add3A_120, %shift_right_logical3A_169 : i32
        %add3A_171 = arith.addi %mul3A_168, %shift_right_logical3A_170 : i32
        %and3A_172 = arith.constant 7 : i32
        %and3A_173 = arith.andi %add3A_120, %and3A_172 : i32
        %mul3A_174 = arith.constant 128 : i32
        %mul3A_175 = arith.muli %and3A_173, %mul3A_174 : i32
        %dma_wait3A_176 = arith.constant 0 : i32
        %dma_wait3A_177 = tpu.memref_slice %arg3[%add3A_171, %mul3A_175, %dma_wait3A_176] : memref<64x1024x64xf32, #tpu.memory_space<hbm>> -> memref<1x128x64xf32, #tpu.memory_space<hbm>>
        %dma_wait3A_178 = tpu.memref_squeeze %dma_wait3A_177 : memref<1x128x64xf32, #tpu.memory_space<hbm>> -> memref<128x64xf32, #tpu.memory_space<hbm>>
        %dma_wait3A_179 = arith.constant 0 : i32
        %dma_wait3A_180 = tpu.memref_slice %arg3[%add3A_171, %mul3A_175, %dma_wait3A_179] : memref<64x1024x64xf32, #tpu.memory_space<hbm>> -> memref<1x128x64xf32, #tpu.memory_space<hbm>>
        %dma_wait3A_181 = tpu.memref_squeeze %dma_wait3A_180 : memref<1x128x64xf32, #tpu.memory_space<hbm>> -> memref<128x64xf32, #tpu.memory_space<hbm>>
        tpu.wait_dma2 semaphore(%arg11 : memref<!tpu.dma_semaphore, #tpu.memory_space<semaphore_mem>>) src(%arg7 : memref<128x64xf32, #tpu.memory_space<vmem>>) dst(%dma_wait3A_181 : memref<128x64xf32, #tpu.memory_space<hbm>>)
      } else {
      }
      %scan3A_141 = arith.constant 0 : i32
      %scan3A_142 = arith.constant 0 : i32
      %scan3A_143 = arith.constant 64 : i32
      %scan3A_144 = arith.addi %scan3A_142, %scan3A_143 : i32
      %scan3A_145 = arith.constant 1 : i32
      scf.for %scan3A_167 = %scan3A_142 to %scan3A_144 step %scan3A_145  : i32 {
        %mul3A_168 = arith.constant 2 : i32
        %mul3A_169 = arith.muli %scan3A_167, %mul3A_168 : i32
        %add3A_170 = arith.constant 0 : i32
        %add3A_171 = arith.addi %mul3A_169, %add3A_170 : i32
        %get3A = arith.index_cast %add3A_171 : i32 to index
        %get3A_172 = arith.constant 0 : index
        %get3A_173 = tpu.vector_load %arg5[%get3A, %get3A_172] {strides = array<i32>} : memref<128x64xf32, #tpu.memory_space<vmem>>, vector<1x16xf32>,
        %get3A_174 = vector.shape_cast %get3A_173 : vector<1x16xf32> to vector<16xf32>
        %jit3A = arith.constant -1.000000e-01 : f32
        %jit3A_175 = arith.constant 1.000000e-01 : f32
        %max3A = vector.broadcast %jit3A : f32 to vector<16xf32>
        %max3A_176 = arith.maximumf %max3A, %get3A_174 : vector<16xf32>
        %min3A = vector.broadcast %jit3A_175 : f32 to vector<16xf32>
        %min3A_177 = arith.minimumf %min3A, %max3A_176 : vector<16xf32>
        %sub3A = arith.subf %get3A_174, %min3A_177 : vector<16xf32>
        %mul3A_178 = arith.constant 7.500000e+00 : f32
        %mul3A_179 = vector.broadcast %mul3A_178 : f32 to vector<16xf32>
        %mul3A_180 = arith.mulf %sub3A, %mul3A_179 : vector<16xf32>
        %add3A_181 = arith.constant 8.000000e+00 : f32
        %add3A_182 = vector.broadcast %add3A_181 : f32 to vector<16xf32>
        %add3A_183 = arith.addf %mul3A_180, %add3A_182 : vector<16xf32>
        %jit3A_184 = arith.constant 5.000000e-01 : f32
        %jit3A_185 = arith.constant 1.550000e+01 : f32
        %max3A_186 = vector.broadcast %jit3A_184 : f32 to vector<16xf32>
        %max3A_187 = arith.maximumf %max3A_186, %add3A_183 : vector<16xf32>
        %min3A_188 = vector.broadcast %jit3A_185 : f32 to vector<16xf32>
        %min3A_189 = arith.minimumf %min3A_188, %max3A_187 : vector<16xf32>
        %convert_element_type3A_190 = arith.fptosi %min3A_189 : vector<16xf32> to vector<16xi32>
        %convert_element_type3A_191 = arith.sitofp %convert_element_type3A_190 : vector<16xi32> to vector<16xf32>
        %mul3A_192 = arith.constant 0.13333334 : f32
        %mul3A_193 = vector.broadcast %mul3A_192 : f32 to vector<16xf32>
        %mul3A_194 = arith.mulf %convert_element_type3A_191, %mul3A_193 : vector<16xf32>
        %sub3A_195 = arith.constant 1.000000e+00 : f32
        %sub3A_196 = vector.broadcast %sub3A_195 : f32 to vector<16xf32>
        %sub3A_197 = arith.subf %mul3A_194, %sub3A_196 : vector<16xf32>
        %abs3A = math.absf %sub3A : vector<16xf32>
        %lt3A_198 = arith.constant 9.99999997E-7 : f32
        %lt3A_199 = vector.broadcast %lt3A_198 : f32 to vector<16xf32>
        %lt3A_200 = arith.cmpf olt, %abs3A, %lt3A_199 : vector<16xf32>
        %jit3A_201 = arith.constant 0.000000e+00 : f32
        %broadcast_in_dim3A = vector.broadcast %jit3A_201 : f32 to vector<16xf32>
        %select_n3A = arith.select %lt3A_200, %broadcast_in_dim3A, %sub3A_197 : vector<16xi1>, vector<16xf32>
        %mul3A_202 = arith.constant 2 : i32
        %mul3A_203 = arith.muli %scan3A_167, %mul3A_202 : i32
        %add3A_204 = arith.constant 0 : i32
        %add3A_205 = arith.addi %mul3A_203, %add3A_204 : i32
        %swap3A = arith.index_cast %add3A_205 : i32 to index
        %swap3A_206 = arith.constant 0 : index
        %swap3A_207 = tpu.vector_load %arg7[%swap3A, %swap3A_206] {strides = array<i32>} : memref<128x64xf32, #tpu.memory_space<vmem>>, vector<1x16xf32>,
        %swap3A_208 = vector.shape_cast %swap3A_207 : vector<1x16xf32> to vector<16xf32>
        %swap3A_209 = vector.shape_cast %select_n3A : vector<16xf32> to vector<1x16xf32>
        tpu.vector_store %arg7[%swap3A, %swap3A_206], %swap3A_209 {strides = array<i32>} : memref<128x64xf32, #tpu.memory_space<vmem>>, vector<1x16xf32>,
        %mul3A_210 = arith.constant 2 : i32
        %mul3A_211 = arith.muli %scan3A_167, %mul3A_210 : i32
        %add3A_212 = arith.constant 0 : i32
        %add3A_213 = arith.addi %mul3A_211, %add3A_212 : i32
        %get3A_214 = arith.index_cast %add3A_213 : i32 to index
        %get3A_215 = arith.constant 16 : index
        %get3A_216 = tpu.vector_load %arg5[%get3A_214, %get3A_215] {strides = array<i32>} : memref<128x64xf32, #tpu.memory_space<vmem>>, vector<1x16xf32>,
        %get3A_217 = vector.shape_cast %get3A_216 : vector<1x16xf32> to vector<16xf32>
        %jit3A_218 = arith.constant -1.000000e-01 : f32
        %jit3A_219 = arith.constant 1.000000e-01 : f32
        %max3A_220 = vector.broadcast %jit3A_218 : f32 to vector<16xf32>
        %max3A_221 = arith.maximumf %max3A_220, %get3A_217 : vector<16xf32>
        %min3A_222 = vector.broadcast %jit3A_219 : f32 to vector<16xf32>
        %min3A_223 = arith.minimumf %min3A_222, %max3A_221 : vector<16xf32>
        %sub3A_224 = arith.subf %get3A_217, %min3A_223 : vector<16xf32>
        %mul3A_225 = arith.constant 7.500000e+00 : f32
        %mul3A_226 = vector.broadcast %mul3A_225 : f32 to vector<16xf32>
        %mul3A_227 = arith.mulf %sub3A_224, %mul3A_226 : vector<16xf32>
        %add3A_228 = arith.constant 8.000000e+00 : f32
        %add3A_229 = vector.broadcast %add3A_228 : f32 to vector<16xf32>
        %add3A_230 = arith.addf %mul3A_227, %add3A_229 : vector<16xf32>
        %jit3A_231 = arith.constant 5.000000e-01 : f32
        %jit3A_232 = arith.constant 1.550000e+01 : f32
        %max3A_233 = vector.broadcast %jit3A_231 : f32 to vector<16xf32>
        %max3A_234 = arith.maximumf %max3A_233, %add3A_230 : vector<16xf32>
        %min3A_235 = vector.broadcast %jit3A_232 : f32 to vector<16xf32>
        %min3A_236 = arith.minimumf %min3A_235, %max3A_234 : vector<16xf32>
        %convert_element_type3A_237 = arith.fptosi %min3A_236 : vector<16xf32> to vector<16xi32>
        %convert_element_type3A_238 = arith.sitofp %convert_element_type3A_237 : vector<16xi32> to vector<16xf32>
        %mul3A_239 = arith.constant 0.13333334 : f32
        %mul3A_240 = vector.broadcast %mul3A_239 : f32 to vector<16xf32>
        %mul3A_241 = arith.mulf %convert_element_type3A_238, %mul3A_240 : vector<16xf32>
        %sub3A_242 = arith.constant 1.000000e+00 : f32
        %sub3A_243 = vector.broadcast %sub3A_242 : f32 to vector<16xf32>
        %sub3A_244 = arith.subf %mul3A_241, %sub3A_243 : vector<16xf32>
        %abs3A_245 = math.absf %sub3A_224 : vector<16xf32>
        %lt3A_246 = arith.constant 9.99999997E-7 : f32
        %lt3A_247 = vector.broadcast %lt3A_246 : f32 to vector<16xf32>
        %lt3A_248 = arith.cmpf olt, %abs3A_245, %lt3A_247 : vector<16xf32>
        %jit3A_249 = arith.constant 0.000000e+00 : f32
        %broadcast_in_dim3A_250 = vector.broadcast %jit3A_249 : f32 to vector<16xf32>
        %select_n3A_251 = arith.select %lt3A_248, %broadcast_in_dim3A_250, %sub3A_244 : vector<16xi1>, vector<16xf32>
        %mul3A_252 = arith.constant 2 : i32
        %mul3A_253 = arith.muli %scan3A_167, %mul3A_252 : i32
        %add3A_254 = arith.constant 0 : i32
        %add3A_255 = arith.addi %mul3A_253, %add3A_254 : i32
        %swap3A_256 = arith.index_cast %add3A_255 : i32 to index
        %swap3A_257 = arith.constant 16 : index
        %swap3A_258 = tpu.vector_load %arg7[%swap3A_256, %swap3A_257] {strides = array<i32>} : memref<128x64xf32, #tpu.memory_space<vmem>>, vector<1x16xf32>,
        %swap3A_259 = vector.shape_cast %swap3A_258 : vector<1x16xf32> to vector<16xf32>
        %swap3A_260 = vector.shape_cast %select_n3A_251 : vector<16xf32> to vector<1x16xf32>
        tpu.vector_store %arg7[%swap3A_256, %swap3A_257], %swap3A_260 {strides = array<i32>} : memref<128x64xf32, #tpu.memory_space<vmem>>, vector<1x16xf32>,
        %mul3A_261 = arith.constant 2 : i32
        %mul3A_262 = arith.muli %scan3A_167, %mul3A_261 : i32
        %add3A_263 = arith.constant 0 : i32
        %add3A_264 = arith.addi %mul3A_262, %add3A_263 : i32
        %get3A_265 = arith.index_cast %add3A_264 : i32 to index
        %get3A_266 = arith.constant 32 : index
        %get3A_267 = tpu.vector_load %arg5[%get3A_265, %get3A_266] {strides = array<i32>} : memref<128x64xf32, #tpu.memory_space<vmem>>, vector<1x16xf32>,
        %get3A_268 = vector.shape_cast %get3A_267 : vector<1x16xf32> to vector<16xf32>
        %jit3A_269 = arith.constant -1.000000e-01 : f32
        %jit3A_270 = arith.constant 1.000000e-01 : f32
        %max3A_271 = vector.broadcast %jit3A_269 : f32 to vector<16xf32>
        %max3A_272 = arith.maximumf %max3A_271, %get3A_268 : vector<16xf32>
        %min3A_273 = vector.broadcast %jit3A_270 : f32 to vector<16xf32>
        %min3A_274 = arith.minimumf %min3A_273, %max3A_272 : vector<16xf32>
        %sub3A_275 = arith.subf %get3A_268, %min3A_274 : vector<16xf32>
        %mul3A_276 = arith.constant 7.500000e+00 : f32
        %mul3A_277 = vector.broadcast %mul3A_276 : f32 to vector<16xf32>
        %mul3A_278 = arith.mulf %sub3A_275, %mul3A_277 : vector<16xf32>
        %add3A_279 = arith.constant 8.000000e+00 : f32
        %add3A_280 = vector.broadcast %add3A_279 : f32 to vector<16xf32>
        %add3A_281 = arith.addf %mul3A_278, %add3A_280 : vector<16xf32>
        %jit3A_282 = arith.constant 5.000000e-01 : f32
        %jit3A_283 = arith.constant 1.550000e+01 : f32
        %max3A_284 = vector.broadcast %jit3A_282 : f32 to vector<16xf32>
        %max3A_285 = arith.maximumf %max3A_284, %add3A_281 : vector<16xf32>
        %min3A_286 = vector.broadcast %jit3A_283 : f32 to vector<16xf32>
        %min3A_287 = arith.minimumf %min3A_286, %max3A_285 : vector<16xf32>
        %convert_element_type3A_288 = arith.fptosi %min3A_287 : vector<16xf32> to vector<16xi32>
        %convert_element_type3A_289 = arith.sitofp %convert_element_type3A_288 : vector<16xi32> to vector<16xf32>
        %mul3A_290 = arith.constant 0.13333334 : f32
        %mul3A_291 = vector.broadcast %mul3A_290 : f32 to vector<16xf32>
        %mul3A_292 = arith.mulf %convert_element_type3A_289, %mul3A_291 : vector<16xf32>
        %sub3A_293 = arith.constant 1.000000e+00 : f32
        %sub3A_294 = vector.broadcast %sub3A_293 : f32 to vector<16xf32>
        %sub3A_295 = arith.subf %mul3A_292, %sub3A_294 : vector<16xf32>
        %abs3A_296 = math.absf %sub3A_275 : vector<16xf32>
        %lt3A_297 = arith.constant 9.99999997E-7 : f32
        %lt3A_298 = vector.broadcast %lt3A_297 : f32 to vector<16xf32>
        %lt3A_299 = arith.cmpf olt, %abs3A_296, %lt3A_298 : vector<16xf32>
        %jit3A_300 = arith.constant 0.000000e+00 : f32
        %broadcast_in_dim3A_301 = vector.broadcast %jit3A_300 : f32 to vector<16xf32>
        %select_n3A_302 = arith.select %lt3A_299, %broadcast_in_dim3A_301, %sub3A_295 : vector<16xi1>, vector<16xf32>
        %mul3A_303 = arith.constant 2 : i32
        %mul3A_304 = arith.muli %scan3A_167, %mul3A_303 : i32
        %add3A_305 = arith.constant 0 : i32
        %add3A_306 = arith.addi %mul3A_304, %add3A_305 : i32
        %swap3A_307 = arith.index_cast %add3A_306 : i32 to index
        %swap3A_308 = arith.constant 32 : index
        %swap3A_309 = tpu.vector_load %arg7[%swap3A_307, %swap3A_308] {strides = array<i32>} : memref<128x64xf32, #tpu.memory_space<vmem>>, vector<1x16xf32>,
        %swap3A_310 = vector.shape_cast %swap3A_309 : vector<1x16xf32> to vector<16xf32>
        %swap3A_311 = vector.shape_cast %select_n3A_302 : vector<16xf32> to vector<1x16xf32>
        tpu.vector_store %arg7[%swap3A_307, %swap3A_308], %swap3A_311 {strides = array<i32>} : memref<128x64xf32, #tpu.memory_space<vmem>>, vector<1x16xf32>,
        %mul3A_312 = arith.constant 2 : i32
        %mul3A_313 = arith.muli %scan3A_167, %mul3A_312 : i32
        %add3A_314 = arith.constant 0 : i32
        %add3A_315 = arith.addi %mul3A_313, %add3A_314 : i32
        %get3A_316 = arith.index_cast %add3A_315 : i32 to index
        %get3A_317 = arith.constant 48 : index
        %get3A_318 = tpu.vector_load %arg5[%get3A_316, %get3A_317] {strides = array<i32>} : memref<128x64xf32, #tpu.memory_space<vmem>>, vector<1x16xf32>,
        %get3A_319 = vector.shape_cast %get3A_318 : vector<1x16xf32> to vector<16xf32>
        %jit3A_320 = arith.constant -1.000000e-01 : f32
        %jit3A_321 = arith.constant 1.000000e-01 : f32
        %max3A_322 = vector.broadcast %jit3A_320 : f32 to vector<16xf32>
        %max3A_323 = arith.maximumf %max3A_322, %get3A_319 : vector<16xf32>
        %min3A_324 = vector.broadcast %jit3A_321 : f32 to vector<16xf32>
        %min3A_325 = arith.minimumf %min3A_324, %max3A_323 : vector<16xf32>
        %sub3A_326 = arith.subf %get3A_319, %min3A_325 : vector<16xf32>
        %mul3A_327 = arith.constant 7.500000e+00 : f32
        %mul3A_328 = vector.broadcast %mul3A_327 : f32 to vector<16xf32>
        %mul3A_329 = arith.mulf %sub3A_326, %mul3A_328 : vector<16xf32>
        %add3A_330 = arith.constant 8.000000e+00 : f32
        %add3A_331 = vector.broadcast %add3A_330 : f32 to vector<16xf32>
        %add3A_332 = arith.addf %mul3A_329, %add3A_331 : vector<16xf32>
        %jit3A_333 = arith.constant 5.000000e-01 : f32
        %jit3A_334 = arith.constant 1.550000e+01 : f32
        %max3A_335 = vector.broadcast %jit3A_333 : f32 to vector<16xf32>
        %max3A_336 = arith.maximumf %max3A_335, %add3A_332 : vector<16xf32>
        %min3A_337 = vector.broadcast %jit3A_334 : f32 to vector<16xf32>
        %min3A_338 = arith.minimumf %min3A_337, %max3A_336 : vector<16xf32>
        %convert_element_type3A_339 = arith.fptosi %min3A_338 : vector<16xf32> to vector<16xi32>
        %convert_element_type3A_340 = arith.sitofp %convert_element_type3A_339 : vector<16xi32> to vector<16xf32>
        %mul3A_341 = arith.constant 0.13333334 : f32
        %mul3A_342 = vector.broadcast %mul3A_341 : f32 to vector<16xf32>
        %mul3A_343 = arith.mulf %convert_element_type3A_340, %mul3A_342 : vector<16xf32>
        %sub3A_344 = arith.constant 1.000000e+00 : f32
        %sub3A_345 = vector.broadcast %sub3A_344 : f32 to vector<16xf32>
        %sub3A_346 = arith.subf %mul3A_343, %sub3A_345 : vector<16xf32>
        %abs3A_347 = math.absf %sub3A_326 : vector<16xf32>
        %lt3A_348 = arith.constant 9.99999997E-7 : f32
        %lt3A_349 = vector.broadcast %lt3A_348 : f32 to vector<16xf32>
        %lt3A_350 = arith.cmpf olt, %abs3A_347, %lt3A_349 : vector<16xf32>
        %jit3A_351 = arith.constant 0.000000e+00 : f32
        %broadcast_in_dim3A_352 = vector.broadcast %jit3A_351 : f32 to vector<16xf32>
        %select_n3A_353 = arith.select %lt3A_350, %broadcast_in_dim3A_352, %sub3A_346 : vector<16xi1>, vector<16xf32>
        %mul3A_354 = arith.constant 2 : i32
        %mul3A_355 = arith.muli %scan3A_167, %mul3A_354 : i32
        %add3A_356 = arith.constant 0 : i32
        %add3A_357 = arith.addi %mul3A_355, %add3A_356 : i32
        %swap3A_358 = arith.index_cast %add3A_357 : i32 to index
        %swap3A_359 = arith.constant 48 : index
        %swap3A_360 = tpu.vector_load %arg7[%swap3A_358, %swap3A_359] {strides = array<i32>} : memref<128x64xf32, #tpu.memory_space<vmem>>, vector<1x16xf32>,
        %swap3A_361 = vector.shape_cast %swap3A_360 : vector<1x16xf32> to vector<16xf32>
        %swap3A_362 = vector.shape_cast %select_n3A_353 : vector<16xf32> to vector<1x16xf32>
        tpu.vector_store %arg7[%swap3A_358, %swap3A_359], %swap3A_362 {strides = array<i32>} : memref<128x64xf32, #tpu.memory_space<vmem>>, vector<1x16xf32>,
        %mul3A_363 = arith.constant 2 : i32
        %mul3A_364 = arith.muli %scan3A_167, %mul3A_363 : i32
        %add3A_365 = arith.constant 1 : i32
        %add3A_366 = arith.addi %mul3A_364, %add3A_365 : i32
        %get3A_367 = arith.index_cast %add3A_366 : i32 to index
        %get3A_368 = arith.constant 0 : index
        %get3A_369 = tpu.vector_load %arg5[%get3A_367, %get3A_368] {strides = array<i32>} : memref<128x64xf32, #tpu.memory_space<vmem>>, vector<1x16xf32>,
        %get3A_370 = vector.shape_cast %get3A_369 : vector<1x16xf32> to vector<16xf32>
        %jit3A_371 = arith.constant -1.000000e-01 : f32
        %jit3A_372 = arith.constant 1.000000e-01 : f32
        %max3A_373 = vector.broadcast %jit3A_371 : f32 to vector<16xf32>
        %max3A_374 = arith.maximumf %max3A_373, %get3A_370 : vector<16xf32>
        %min3A_375 = vector.broadcast %jit3A_372 : f32 to vector<16xf32>
        %min3A_376 = arith.minimumf %min3A_375, %max3A_374 : vector<16xf32>
        %sub3A_377 = arith.subf %get3A_370, %min3A_376 : vector<16xf32>
        %mul3A_378 = arith.constant 7.500000e+00 : f32
        %mul3A_379 = vector.broadcast %mul3A_378 : f32 to vector<16xf32>
        %mul3A_380 = arith.mulf %sub3A_377, %mul3A_379 : vector<16xf32>
        %add3A_381 = arith.constant 8.000000e+00 : f32
        %add3A_382 = vector.broadcast %add3A_381 : f32 to vector<16xf32>
        %add3A_383 = arith.addf %mul3A_380, %add3A_382 : vector<16xf32>
        %jit3A_384 = arith.constant 5.000000e-01 : f32
        %jit3A_385 = arith.constant 1.550000e+01 : f32
        %max3A_386 = vector.broadcast %jit3A_384 : f32 to vector<16xf32>
        %max3A_387 = arith.maximumf %max3A_386, %add3A_383 : vector<16xf32>
        %min3A_388 = vector.broadcast %jit3A_385 : f32 to vector<16xf32>
        %min3A_389 = arith.minimumf %min3A_388, %max3A_387 : vector<16xf32>
        %convert_element_type3A_390 = arith.fptosi %min3A_389 : vector<16xf32> to vector<16xi32>
        %convert_element_type3A_391 = arith.sitofp %convert_element_type3A_390 : vector<16xi32> to vector<16xf32>
        %mul3A_392 = arith.constant 0.13333334 : f32
        %mul3A_393 = vector.broadcast %mul3A_392 : f32 to vector<16xf32>
        %mul3A_394 = arith.mulf %convert_element_type3A_391, %mul3A_393 : vector<16xf32>
        %sub3A_395 = arith.constant 1.000000e+00 : f32
        %sub3A_396 = vector.broadcast %sub3A_395 : f32 to vector<16xf32>
        %sub3A_397 = arith.subf %mul3A_394, %sub3A_396 : vector<16xf32>
        %abs3A_398 = math.absf %sub3A_377 : vector<16xf32>
        %lt3A_399 = arith.constant 9.99999997E-7 : f32
        %lt3A_400 = vector.broadcast %lt3A_399 : f32 to vector<16xf32>
        %lt3A_401 = arith.cmpf olt, %abs3A_398, %lt3A_400 : vector<16xf32>
        %jit3A_402 = arith.constant 0.000000e+00 : f32
        %broadcast_in_dim3A_403 = vector.broadcast %jit3A_402 : f32 to vector<16xf32>
        %select_n3A_404 = arith.select %lt3A_401, %broadcast_in_dim3A_403, %sub3A_397 : vector<16xi1>, vector<16xf32>
        %mul3A_405 = arith.constant 2 : i32
        %mul3A_406 = arith.muli %scan3A_167, %mul3A_405 : i32
        %add3A_407 = arith.constant 1 : i32
        %add3A_408 = arith.addi %mul3A_406, %add3A_407 : i32
        %swap3A_409 = arith.index_cast %add3A_408 : i32 to index
        %swap3A_410 = arith.constant 0 : index
        %swap3A_411 = tpu.vector_load %arg7[%swap3A_409, %swap3A_410] {strides = array<i32>} : memref<128x64xf32, #tpu.memory_space<vmem>>, vector<1x16xf32>,
        %swap3A_412 = vector.shape_cast %swap3A_411 : vector<1x16xf32> to vector<16xf32>
        %swap3A_413 = vector.shape_cast %select_n3A_404 : vector<16xf32> to vector<1x16xf32>
        tpu.vector_store %arg7[%swap3A_409, %swap3A_410], %swap3A_413 {strides = array<i32>} : memref<128x64xf32, #tpu.memory_space<vmem>>, vector<1x16xf32>,
        %mul3A_414 = arith.constant 2 : i32
        %mul3A_415 = arith.muli %scan3A_167, %mul3A_414 : i32
        %add3A_416 = arith.constant 1 : i32
        %add3A_417 = arith.addi %mul3A_415, %add3A_416 : i32
        %get3A_418 = arith.index_cast %add3A_417 : i32 to index
        %get3A_419 = arith.constant 16 : index
        %get3A_420 = tpu.vector_load %arg5[%get3A_418, %get3A_419] {strides = array<i32>} : memref<128x64xf32, #tpu.memory_space<vmem>>, vector<1x16xf32>,
        %get3A_421 = vector.shape_cast %get3A_420 : vector<1x16xf32> to vector<16xf32>
        %jit3A_422 = arith.constant -1.000000e-01 : f32
        %jit3A_423 = arith.constant 1.000000e-01 : f32
        %max3A_424 = vector.broadcast %jit3A_422 : f32 to vector<16xf32>
        %max3A_425 = arith.maximumf %max3A_424, %get3A_421 : vector<16xf32>
        %min3A_426 = vector.broadcast %jit3A_423 : f32 to vector<16xf32>
        %min3A_427 = arith.minimumf %min3A_426, %max3A_425 : vector<16xf32>
        %sub3A_428 = arith.subf %get3A_421, %min3A_427 : vector<16xf32>
        %mul3A_429 = arith.constant 7.500000e+00 : f32
        %mul3A_430 = vector.broadcast %mul3A_429 : f32 to vector<16xf32>
        %mul3A_431 = arith.mulf %sub3A_428, %mul3A_430 : vector<16xf32>
        %add3A_432 = arith.constant 8.000000e+00 : f32
        %add3A_433 = vector.broadcast %add3A_432 : f32 to vector<16xf32>
        %add3A_434 = arith.addf %mul3A_431, %add3A_433 : vector<16xf32>
        %jit3A_435 = arith.constant 5.000000e-01 : f32
        %jit3A_436 = arith.constant 1.550000e+01 : f32
        %max3A_437 = vector.broadcast %jit3A_435 : f32 to vector<16xf32>
        %max3A_438 = arith.maximumf %max3A_437, %add3A_434 : vector<16xf32>
        %min3A_439 = vector.broadcast %jit3A_436 : f32 to vector<16xf32>
        %min3A_440 = arith.minimumf %min3A_439, %max3A_438 : vector<16xf32>
        %convert_element_type3A_441 = arith.fptosi %min3A_440 : vector<16xf32> to vector<16xi32>
        %convert_element_type3A_442 = arith.sitofp %convert_element_type3A_441 : vector<16xi32> to vector<16xf32>
        %mul3A_443 = arith.constant 0.13333334 : f32
        %mul3A_444 = vector.broadcast %mul3A_443 : f32 to vector<16xf32>
        %mul3A_445 = arith.mulf %convert_element_type3A_442, %mul3A_444 : vector<16xf32>
        %sub3A_446 = arith.constant 1.000000e+00 : f32
        %sub3A_447 = vector.broadcast %sub3A_446 : f32 to vector<16xf32>
        %sub3A_448 = arith.subf %mul3A_445, %sub3A_447 : vector<16xf32>
        %abs3A_449 = math.absf %sub3A_428 : vector<16xf32>
        %lt3A_450 = arith.constant 9.99999997E-7 : f32
        %lt3A_451 = vector.broadcast %lt3A_450 : f32 to vector<16xf32>
        %lt3A_452 = arith.cmpf olt, %abs3A_449, %lt3A_451 : vector<16xf32>
        %jit3A_453 = arith.constant 0.000000e+00 : f32
        %broadcast_in_dim3A_454 = vector.broadcast %jit3A_453 : f32 to vector<16xf32>
        %select_n3A_455 = arith.select %lt3A_452, %broadcast_in_dim3A_454, %sub3A_448 : vector<16xi1>, vector<16xf32>
        %mul3A_456 = arith.constant 2 : i32
        %mul3A_457 = arith.muli %scan3A_167, %mul3A_456 : i32
        %add3A_458 = arith.constant 1 : i32
        %add3A_459 = arith.addi %mul3A_457, %add3A_458 : i32
        %swap3A_460 = arith.index_cast %add3A_459 : i32 to index
        %swap3A_461 = arith.constant 16 : index
        %swap3A_462 = tpu.vector_load %arg7[%swap3A_460, %swap3A_461] {strides = array<i32>} : memref<128x64xf32, #tpu.memory_space<vmem>>, vector<1x16xf32>,
        %swap3A_463 = vector.shape_cast %swap3A_462 : vector<1x16xf32> to vector<16xf32>
        %swap3A_464 = vector.shape_cast %select_n3A_455 : vector<16xf32> to vector<1x16xf32>
        tpu.vector_store %arg7[%swap3A_460, %swap3A_461], %swap3A_464 {strides = array<i32>} : memref<128x64xf32, #tpu.memory_space<vmem>>, vector<1x16xf32>,
        %mul3A_465 = arith.constant 2 : i32
        %mul3A_466 = arith.muli %scan3A_167, %mul3A_465 : i32
        %add3A_467 = arith.constant 1 : i32
        %add3A_468 = arith.addi %mul3A_466, %add3A_467 : i32
        %get3A_469 = arith.index_cast %add3A_468 : i32 to index
        %get3A_470 = arith.constant 32 : index
        %get3A_471 = tpu.vector_load %arg5[%get3A_469, %get3A_470] {strides = array<i32>} : memref<128x64xf32, #tpu.memory_space<vmem>>, vector<1x16xf32>,
        %get3A_472 = vector.shape_cast %get3A_471 : vector<1x16xf32> to vector<16xf32>
        %jit3A_473 = arith.constant -1.000000e-01 : f32
        %jit3A_474 = arith.constant 1.000000e-01 : f32
        %max3A_475 = vector.broadcast %jit3A_473 : f32 to vector<16xf32>
        %max3A_476 = arith.maximumf %max3A_475, %get3A_472 : vector<16xf32>
        %min3A_477 = vector.broadcast %jit3A_474 : f32 to vector<16xf32>
        %min3A_478 = arith.minimumf %min3A_477, %max3A_476 : vector<16xf32>
        %sub3A_479 = arith.subf %get3A_472, %min3A_478 : vector<16xf32>
        %mul3A_480 = arith.constant 7.500000e+00 : f32
        %mul3A_481 = vector.broadcast %mul3A_480 : f32 to vector<16xf32>
        %mul3A_482 = arith.mulf %sub3A_479, %mul3A_481 : vector<16xf32>
        %add3A_483 = arith.constant 8.000000e+00 : f32
        %add3A_484 = vector.broadcast %add3A_483 : f32 to vector<16xf32>
        %add3A_485 = arith.addf %mul3A_482, %add3A_484 : vector<16xf32>
        %jit3A_486 = arith.constant 5.000000e-01 : f32
        %jit3A_487 = arith.constant 1.550000e+01 : f32
        %max3A_488 = vector.broadcast %jit3A_486 : f32 to vector<16xf32>
        %max3A_489 = arith.maximumf %max3A_488, %add3A_485 : vector<16xf32>
        %min3A_490 = vector.broadcast %jit3A_487 : f32 to vector<16xf32>
        %min3A_491 = arith.minimumf %min3A_490, %max3A_489 : vector<16xf32>
        %convert_element_type3A_492 = arith.fptosi %min3A_491 : vector<16xf32> to vector<16xi32>
        %convert_element_type3A_493 = arith.sitofp %convert_element_type3A_492 : vector<16xi32> to vector<16xf32>
        %mul3A_494 = arith.constant 0.13333334 : f32
        %mul3A_495 = vector.broadcast %mul3A_494 : f32 to vector<16xf32>
        %mul3A_496 = arith.mulf %convert_element_type3A_493, %mul3A_495 : vector<16xf32>
        %sub3A_497 = arith.constant 1.000000e+00 : f32
        %sub3A_498 = vector.broadcast %sub3A_497 : f32 to vector<16xf32>
        %sub3A_499 = arith.subf %mul3A_496, %sub3A_498 : vector<16xf32>
        %abs3A_500 = math.absf %sub3A_479 : vector<16xf32>
        %lt3A_501 = arith.constant 9.99999997E-7 : f32
        %lt3A_502 = vector.broadcast %lt3A_501 : f32 to vector<16xf32>
        %lt3A_503 = arith.cmpf olt, %abs3A_500, %lt3A_502 : vector<16xf32>
        %jit3A_504 = arith.constant 0.000000e+00 : f32
        %broadcast_in_dim3A_505 = vector.broadcast %jit3A_504 : f32 to vector<16xf32>
        %select_n3A_506 = arith.select %lt3A_503, %broadcast_in_dim3A_505, %sub3A_499 : vector<16xi1>, vector<16xf32>
        %mul3A_507 = arith.constant 2 : i32
        %mul3A_508 = arith.muli %scan3A_167, %mul3A_507 : i32
        %add3A_509 = arith.constant 1 : i32
        %add3A_510 = arith.addi %mul3A_508, %add3A_509 : i32
        %swap3A_511 = arith.index_cast %add3A_510 : i32 to index
        %swap3A_512 = arith.constant 32 : index
        %swap3A_513 = tpu.vector_load %arg7[%swap3A_511, %swap3A_512] {strides = array<i32>} : memref<128x64xf32, #tpu.memory_space<vmem>>, vector<1x16xf32>,
        %swap3A_514 = vector.shape_cast %swap3A_513 : vector<1x16xf32> to vector<16xf32>
        %swap3A_515 = vector.shape_cast %select_n3A_506 : vector<16xf32> to vector<1x16xf32>
        tpu.vector_store %arg7[%swap3A_511, %swap3A_512], %swap3A_515 {strides = array<i32>} : memref<128x64xf32, #tpu.memory_space<vmem>>, vector<1x16xf32>,
        %mul3A_516 = arith.constant 2 : i32
        %mul3A_517 = arith.muli %scan3A_167, %mul3A_516 : i32
        %add3A_518 = arith.constant 1 : i32
        %add3A_519 = arith.addi %mul3A_517, %add3A_518 : i32
        %get3A_520 = arith.index_cast %add3A_519 : i32 to index
        %get3A_521 = arith.constant 48 : index
        %get3A_522 = tpu.vector_load %arg5[%get3A_520, %get3A_521] {strides = array<i32>} : memref<128x64xf32, #tpu.memory_space<vmem>>, vector<1x16xf32>,
        %get3A_523 = vector.shape_cast %get3A_522 : vector<1x16xf32> to vector<16xf32>
        %jit3A_524 = arith.constant -1.000000e-01 : f32
        %jit3A_525 = arith.constant 1.000000e-01 : f32
        %max3A_526 = vector.broadcast %jit3A_524 : f32 to vector<16xf32>
        %max3A_527 = arith.maximumf %max3A_526, %get3A_523 : vector<16xf32>
        %min3A_528 = vector.broadcast %jit3A_525 : f32 to vector<16xf32>
        %min3A_529 = arith.minimumf %min3A_528, %max3A_527 : vector<16xf32>
        %sub3A_530 = arith.subf %get3A_523, %min3A_529 : vector<16xf32>
        %mul3A_531 = arith.constant 7.500000e+00 : f32
        %mul3A_532 = vector.broadcast %mul3A_531 : f32 to vector<16xf32>
        %mul3A_533 = arith.mulf %sub3A_530, %mul3A_532 : vector<16xf32>
        %add3A_534 = arith.constant 8.000000e+00 : f32
        %add3A_535 = vector.broadcast %add3A_534 : f32 to vector<16xf32>
        %add3A_536 = arith.addf %mul3A_533, %add3A_535 : vector<16xf32>
        %jit3A_537 = arith.constant 5.000000e-01 : f32
        %jit3A_538 = arith.constant 1.550000e+01 : f32
        %max3A_539 = vector.broadcast %jit3A_537 : f32 to vector<16xf32>
        %max3A_540 = arith.maximumf %max3A_539, %add3A_536 : vector<16xf32>
        %min3A_541 = vector.broadcast %jit3A_538 : f32 to vector<16xf32>
        %min3A_542 = arith.minimumf %min3A_541, %max3A_540 : vector<16xf32>
        %convert_element_type3A_543 = arith.fptosi %min3A_542 : vector<16xf32> to vector<16xi32>
        %convert_element_type3A_544 = arith.sitofp %convert_element_type3A_543 : vector<16xi32> to vector<16xf32>
        %mul3A_545 = arith.constant 0.13333334 : f32
        %mul3A_546 = vector.broadcast %mul3A_545 : f32 to vector<16xf32>
        %mul3A_547 = arith.mulf %convert_element_type3A_544, %mul3A_546 : vector<16xf32>
        %sub3A_548 = arith.constant 1.000000e+00 : f32
        %sub3A_549 = vector.broadcast %sub3A_548 : f32 to vector<16xf32>
        %sub3A_550 = arith.subf %mul3A_547, %sub3A_549 : vector<16xf32>
        %abs3A_551 = math.absf %sub3A_530 : vector<16xf32>
        %lt3A_552 = arith.constant 9.99999997E-7 : f32
        %lt3A_553 = vector.broadcast %lt3A_552 : f32 to vector<16xf32>
        %lt3A_554 = arith.cmpf olt, %abs3A_551, %lt3A_553 : vector<16xf32>
        %jit3A_555 = arith.constant 0.000000e+00 : f32
        %broadcast_in_dim3A_556 = vector.broadcast %jit3A_555 : f32 to vector<16xf32>
        %select_n3A_557 = arith.select %lt3A_554, %broadcast_in_dim3A_556, %sub3A_550 : vector<16xi1>, vector<16xf32>
        %mul3A_558 = arith.constant 2 : i32
        %mul3A_559 = arith.muli %scan3A_167, %mul3A_558 : i32
        %add3A_560 = arith.constant 1 : i32
        %add3A_561 = arith.addi %mul3A_559, %add3A_560 : i32
        %swap3A_562 = arith.index_cast %add3A_561 : i32 to index
        %swap3A_563 = arith.constant 48 : index
        %swap3A_564 = tpu.vector_load %arg7[%swap3A_562, %swap3A_563] {strides = array<i32>} : memref<128x64xf32, #tpu.memory_space<vmem>>, vector<1x16xf32>,
        %swap3A_565 = vector.shape_cast %swap3A_564 : vector<1x16xf32> to vector<16xf32>
        %swap3A_566 = vector.shape_cast %select_n3A_557 : vector<16xf32> to vector<1x16xf32>
        tpu.vector_store %arg7[%swap3A_562, %swap3A_563], %swap3A_566 {strides = array<i32>} : memref<128x64xf32, #tpu.memory_space<vmem>>, vector<1x16xf32>,
      }
      %scan3A_146 = arith.constant 64 : i32
      %mul3A_147 = arith.constant 2 : i32
      %mul3A_148 = arith.muli %add3A, %mul3A_147 : i32
      %shift_right_logical3A_149 = arith.constant 3 : i32
      %shift_right_logical3A_150 = arith.shrui %add3A_120, %shift_right_logical3A_149 : i32
      %add3A_151 = arith.addi %mul3A_148, %shift_right_logical3A_150 : i32
      %and3A_152 = arith.constant 7 : i32
      %and3A_153 = arith.andi %add3A_120, %and3A_152 : i32
      %mul3A_154 = arith.constant 128 : i32
      %mul3A_155 = arith.muli %and3A_153, %mul3A_154 : i32
      %dma_start3A_156 = arith.constant 0 : i32
      %dma_start3A_157 = tpu.memref_slice %arg3[%add3A_151, %mul3A_155, %dma_start3A_156] : memref<64x1024x64xf32, #tpu.memory_space<hbm>> -> memref<1x128x64xf32, #tpu.memory_space<hbm>>
      %dma_start3A_158 = tpu.memref_squeeze %dma_start3A_157 : memref<1x128x64xf32, #tpu.memory_space<hbm>> -> memref<128x64xf32, #tpu.memory_space<hbm>>
      %dma_start3A_159 = arith.constant 0 : i32
      %dma_start3A_160 = tpu.memref_slice %arg3[%add3A_151, %mul3A_155, %dma_start3A_159] : memref<64x1024x64xf32, #tpu.memory_space<hbm>> -> memref<1x128x64xf32, #tpu.memory_space<hbm>>
      %dma_start3A_161 = tpu.memref_squeeze %dma_start3A_160 : memref<1x128x64xf32, #tpu.memory_space<hbm>> -> memref<128x64xf32, #tpu.memory_space<hbm>>
      tpu.enqueue_dma source(%arg7 : memref<128x64xf32, #tpu.memory_space<vmem>>) target(%dma_start3A_161 : memref<128x64xf32, #tpu.memory_space<hbm>>) target_semaphore(%arg11 : memref<!tpu.dma_semaphore, #tpu.memory_space<semaphore_mem>>)
      %lt3A_162 = arith.constant 7 : i32
      %lt3A_163 = arith.cmpi slt, %scan3A_70, %lt3A_162 : i32
      %convert_element_type3A_164 = arith.extui %lt3A_163 : i1 to i32
      %cond3A_165 = arith.constant 0 : i32
      %cond3A_166 = arith.cmpi ne, %convert_element_type3A_164, %cond3A_165 : i32
      scf.if %cond3A_166 {
        %add3A_167 = arith.constant 2 : i32
        %add3A_168 = arith.addi %add3A_120, %add3A_167 : i32
        %mul3A_169 = arith.constant 2 : i32
        %mul3A_170 = arith.muli %add3A, %mul3A_169 : i32
        %shift_right_logical3A_171 = arith.constant 3 : i32
        %shift_right_logical3A_172 = arith.shrui %add3A_168, %shift_right_logical3A_171 : i32
        %add3A_173 = arith.addi %mul3A_170, %shift_right_logical3A_172 : i32
        %and3A_174 = arith.constant 7 : i32
        %and3A_175 = arith.andi %add3A_168, %and3A_174 : i32
        %mul3A_176 = arith.constant 128 : i32
        %mul3A_177 = arith.muli %and3A_175, %mul3A_176 : i32
        %dma_start3A_178 = arith.constant 0 : i32
        %dma_start3A_179 = tpu.memref_slice %arg2[%add3A_173, %mul3A_177, %dma_start3A_178] : memref<64x1024x64xf32, #tpu.memory_space<hbm>> -> memref<1x128x64xf32, #tpu.memory_space<hbm>>
        %dma_start3A_180 = tpu.memref_squeeze %dma_start3A_179 : memref<1x128x64xf32, #tpu.memory_space<hbm>> -> memref<128x64xf32, #tpu.memory_space<hbm>>
        %dma_start3A_181 = arith.constant 0 : i32
        %dma_start3A_182 = tpu.memref_slice %arg2[%add3A_173, %mul3A_177, %dma_start3A_181] : memref<64x1024x64xf32, #tpu.memory_space<hbm>> -> memref<1x128x64xf32, #tpu.memory_space<hbm>>
        %dma_start3A_183 = tpu.memref_squeeze %dma_start3A_182 : memref<1x128x64xf32, #tpu.memory_space<hbm>> -> memref<128x64xf32, #tpu.memory_space<hbm>>
        tpu.enqueue_dma source(%dma_start3A_183 : memref<128x64xf32, #tpu.memory_space<hbm>>) target(%arg5 : memref<128x64xf32, #tpu.memory_space<vmem>>) target_semaphore(%arg9 : memref<!tpu.dma_semaphore, #tpu.memory_space<semaphore_mem>>)
      } else {
      }
    }
    %scan3A_36 = arith.constant 8 : i32
    %mul3A_37 = arith.constant 2 : i32
    %mul3A_38 = arith.muli %add3A, %mul3A_37 : i32
    %shift_right_logical3A_39 = arith.constant 14 : i32
    %shift_right_logical3A_40 = arith.constant 3 : i32
    %shift_right_logical3A_41 = arith.shrui %shift_right_logical3A_39, %shift_right_logical3A_40 : i32
    %add3A_42 = arith.addi %mul3A_38, %shift_right_logical3A_41 : i32
    %and3A_43 = arith.constant 14 : i32
    %and3A_44 = arith.constant 7 : i32
    %and3A_45 = arith.andi %and3A_43, %and3A_44 : i32
    %mul3A_46 = arith.constant 128 : i32
    %mul3A_47 = arith.muli %and3A_45, %mul3A_46 : i32
    %dma_wait3A = arith.constant 0 : i32
    %dma_wait3A_48 = tpu.memref_slice %arg3[%add3A_42, %mul3A_47, %dma_wait3A] : memref<64x1024x64xf32, #tpu.memory_space<hbm>> -> memref<1x128x64xf32, #tpu.memory_space<hbm>>
    %dma_wait3A_49 = tpu.memref_squeeze %dma_wait3A_48 : memref<1x128x64xf32, #tpu.memory_space<hbm>> -> memref<128x64xf32, #tpu.memory_space<hbm>>
    %dma_wait3A_50 = arith.constant 0 : i32
    %dma_wait3A_51 = tpu.memref_slice %arg3[%add3A_42, %mul3A_47, %dma_wait3A_50] : memref<64x1024x64xf32, #tpu.memory_space<hbm>> -> memref<1x128x64xf32, #tpu.memory_space<hbm>>
    %dma_wait3A_52 = tpu.memref_squeeze %dma_wait3A_51 : memref<1x128x64xf32, #tpu.memory_space<hbm>> -> memref<128x64xf32, #tpu.memory_space<hbm>>
    tpu.wait_dma2 semaphore(%arg10 : memref<!tpu.dma_semaphore, #tpu.memory_space<semaphore_mem>>) src(%arg6 : memref<128x64xf32, #tpu.memory_space<vmem>>) dst(%dma_wait3A_52 : memref<128x64xf32, #tpu.memory_space<hbm>>)
    %mul3A_53 = arith.constant 2 : i32
    %mul3A_54 = arith.muli %add3A, %mul3A_53 : i32
    %shift_right_logical3A_55 = arith.constant 15 : i32
    %shift_right_logical3A_56 = arith.constant 3 : i32
    %shift_right_logical3A_57 = arith.shrui %shift_right_logical3A_55, %shift_right_logical3A_56 : i32
    %add3A_58 = arith.addi %mul3A_54, %shift_right_logical3A_57 : i32
    %and3A_59 = arith.constant 15 : i32
    %and3A_60 = arith.constant 7 : i32
    %and3A_61 = arith.andi %and3A_59, %and3A_60 : i32
    %mul3A_62 = arith.constant 128 : i32
    %mul3A_63 = arith.muli %and3A_61, %mul3A_62 : i32
    %dma_wait3A_64 = arith.constant 0 : i32
    %dma_wait3A_65 = tpu.memref_slice %arg3[%add3A_58, %mul3A_63, %dma_wait3A_64] : memref<64x1024x64xf32, #tpu.memory_space<hbm>> -> memref<1x128x64xf32, #tpu.memory_space<hbm>>
    %dma_wait3A_66 = tpu.memref_squeeze %dma_wait3A_65 : memref<1x128x64xf32, #tpu.memory_space<hbm>> -> memref<128x64xf32, #tpu.memory_space<hbm>>
    %dma_wait3A_67 = arith.constant 0 : i32
    %dma_wait3A_68 = tpu.memref_slice %arg3[%add3A_58, %mul3A_63, %dma_wait3A_67] : memref<64x1024x64xf32, #tpu.memory_space<hbm>> -> memref<1x128x64xf32, #tpu.memory_space<hbm>>
    %dma_wait3A_69 = tpu.memref_squeeze %dma_wait3A_68 : memref<1x128x64xf32, #tpu.memory_space<hbm>> -> memref<128x64xf32, #tpu.memory_space<hbm>>
    tpu.wait_dma2 semaphore(%arg11 : memref<!tpu.dma_semaphore, #tpu.memory_space<semaphore_mem>>) src(%arg7 : memref<128x64xf32, #tpu.memory_space<vmem>>) dst(%dma_wait3A_69 : memref<128x64xf32, #tpu.memory_space<hbm>>)
    return
  }
}

</mosaic_0001>

<sc_bundles>
// kernel: kernel.3.cloned.1.call-start
scs
__scs_entry_jumppad:
0x0: {  	(pc) =	sbr.rel $0x88, $3  }
0x1: {  	(tag) =	ssettag $0x0;
	lr =	simm.s32 $0x1  }
0x2: {  	[smem:$0x3FA0] =	sst lr;
	_ =	strace $0xD0000000  }
0x3: {  	_ = 	snop  }
0x4: {  	_ = 	snop  }
0x5: {  	_ = 	snop  }
0x6: {  	_ = 	snop  }
0x7: {  	_ = 	snop  }
__scs_overlays_trampoline_lowered:
0x8: {  	[smem:$0x3FAF] =	sst s0  }
0x9: {  	[smem:$0x3FB0] =	sst s1  }
0xa: {  	[smem:$0x3FB1] =	sst s2  }
0xb: {  	[smem:$0x3FB2] =	sst s3  }
0xc: {  	[smem:$0x3FB3] =	sst s4  }
0xd: {  	[smem:$0x3FB4] =	sst s5  }
0xe: {  	[smem:$0x3FB5] =	sst s6  }
0xf: {  	[smem:$0x3FB6] =	sst s7  }
0x10: {  	[smem:$0x3FB7] =	sst s8  }
0x11: {  	[smem:$0x3FB8] =	sst s9;
	s0 =	simm.s32 @!p0 $0x0  }
0x12: {  	s1 =	sld [smem:$0x3F9E];
	s0 =	simm.s32 @p0 $0x1  }
0x13: {  	[smem:$0x3FB9] =	sst s0;
	s0 =	simm.s32 @!p1 $0x0  }
0x14: {  	s2 =	sld [smem:$0x3F9D];
	s0 =	simm.s32 @p1 $0x1  }
0x15: {  	[smem:$0x3FBA] =	sst s0;
	s0 =	simm.s32 @!p2 $0x0  }
0x16: {  	s3 =	sld [smem:$0x3FDB];
	s0 =	simm.s32 @p2 $0x1  }
0x17: {  	s4 =	simm.s32 $0x1BF5;
	[smem:$0x3FBC] =	sst s0  }
0x18: {  	s0 =	sld [smem:$0x3F9F];
	_ =	swait.ge [sflag:s4], $0x0  }
0x19: {  	s7 =	sld [smem:$0x3FA0]  }
0x1a: {  	s8 =	sadd.s32 $0xFFFFE003, lr  }
0x1b: {  	s9 =	sadd.s32 $0xFFFFFEF7, lr;
	s5 =	simm.s32 $0xFFFFFFFF;
	p2 =	slt.u32 s8, $0xFFFFF086  }
0x1c: {  	p1 =	slt.u32 s9, $0xF7A;
	s5 =	simm.s32 @!p2 $0x0  }
0x1d: {  	s5 =	simm.s32 @p1 $0x1;
	p0 =	seq.s32 s7, s2  }
0x1e: {  	s7 =	smul.u32 @!p0 $0xF7A, s2;
	p2 =	seq.s32 @!p0 s5, $0x0  }
0x1f: {  	s9 =	smul.u32 $0xF7A, s1;
	s8 =	simm.s32 @!p0 $0x1BF5;
	p2 =	por !p2, p0  }
0x20: {  	[sflag:s8] =	ssyncset.s32 @!p0 $0xFFFFF086;
	s6 =	sadd.s32 @!p0 s3, s7;
	s7 =	simm.s32 @!p0 $0x108  }
0x21: {  	s3 =	sadd.s32 s3, s9;
	s6 =	sadd.s32 @!p0 $0x88, s6;
	s7 =	simm.s32 @p2 $0x1082  }
0x22: {  	[simem:s7], [sflag:s8] =	dma.local @!p0 [hbm:s6], $0xF7A  }
0x23: {  	s9 =	sor.u32 $0xD0000000, s2;
	s6 =	simm.s32 $0x108;
	_ =	swait.ge @!p0 [sflag:s8], $0x0  }
0x24: {  	s3 =	sadd.s32 $0x88, s3;
	s6 =	simm.s32 @!p1 $0x1082;
	[sflag:s4] =	ssyncset.s32 $0xFFFFF086  }
0x25: {  	[simem:s6], [sflag:s4] =	dma.local [hbm:s3], $0xF7A  }
0x26: {  	[smem:$0x3FA0] =	sst s1;
	(tag) =	ssettag s2;
	_ =	strace s9  }
0x27: {  	s1 =	sld [smem:$0x3FB0]  }
0x28: {  	s2 =	sld [smem:$0x3FB1]  }
0x29: {  	s4 =	sld [smem:$0x3FB3]  }
0x2a: {  	p0 =	seq.s32 s5, $0x0;
	s5 =	sld [smem:$0x3FB4]  }
0x2b: {  	s6 =	sld [smem:$0x3FB5]  }
0x2c: {  	s7 =	sld [smem:$0x3FB6]  }
0x2d: {  	s3 =	simm.s32 $0x108;
	s8 =	sld [smem:$0x3FB7]  }
0x2e: {  	s3 =	simm.s32 @!p0 $0x1082;
	s9 =	sld [smem:$0x3FB8]  }
0x2f: {  	lr =	sadd.s32 s0, s3;
	s0 =	sld [smem:$0x3FAF]  }
0x30: {  	s3 =	sld [smem:$0x3FB2]  }
0x31: {  	[smem:$0x3FBB] =	sst s10  }
0x32: {  	s10 =	sld [smem:$0x3FB9];
	_ =	sdelay $0x3  }
0x33: {  	p0 =	seq.s32 s10, $0x1;
	s10 =	sld [smem:$0x3FBB];
	_ =	sdelay $0x3  }
0x34: {  	[smem:$0x3FBB] =	sst s10  }
0x35: {  	s10 =	sld [smem:$0x3FBA];
	_ =	sdelay $0x3  }
0x36: {  	p1 =	seq.s32 s10, $0x1;
	s10 =	sld [smem:$0x3FBB];
	_ =	sdelay $0x3  }
0x37: {  	[smem:$0x3FBB] =	sst s10  }
0x38: {  	s10 =	sld [smem:$0x3FBC]  }
0x39: {  	_ = 	snop;
	(pc) =	sbr.ind lr, $3  }
0x3a: {  	_ = 	snop  }
0x3b: {  	_ = 	snop  }
0x3c: {  	p2 =	seq.s32 s10, $0x1;
	s10 =	sld [smem:$0x3FBB]  }
0x3d: {  	_ =	shalt  }
0x3e: {  	_ =	shalt  }
0x3f: {  	_ =	shalt  }
0x40: {  	_ =	shalt  }
0x41: {  	_ =	shalt  }
0x42: {  	_ =	shalt  }
0x43: {  	_ =	shalt  }
0x44: {  	_ =	shalt  }
0x45: {  	_ =	shalt  }
0x46: {  	_ =	shalt  }
0x47: {  	_ =	shalt  }
0x48: {  	_ =	shalt  }
0x49: {  	_ =	shalt  }
0x4a: {  	_ =	shalt  }
0x4b: {  	_ =	shalt  }
0x4c: {  	_ =	shalt  }
0x4d: {  	_ =	shalt  }
0x4e: {  	_ =	shalt  }
0x4f: {  	_ =	shalt  }
0x50: {  	_ =	shalt  }
0x51: {  	_ =	shalt  }
0x52: {  	_ =	shalt  }
0x53: {  	_ =	shalt  }
0x54: {  	_ =	shalt  }
0x55: {  	_ =	shalt  }
0x56: {  	_ =	shalt  }
0x57: {  	_ =	shalt  }
0x58: {  	_ =	shalt  }
0x59: {  	_ =	shalt  }
0x5a: {  	_ =	shalt  }
0x5b: {  	_ =	shalt  }
0x5c: {  	_ =	shalt  }
0x5d: {  	_ =	shalt  }
0x5e: {  	_ =	shalt  }
0x5f: {  	_ =	shalt  }
0x60: {  	_ =	shalt  }
0x61: {  	_ =	shalt  }
0x62: {  	_ =	shalt  }
0x63: {  	_ =	shalt  }
0x64: {  	_ =	shalt  }
0x65: {  	_ =	shalt  }
0x66: {  	_ =	shalt  }
0x67: {  	_ =	shalt  }
0x68: {  	_ =	shalt  }
0x69: {  	_ =	shalt  }
0x6a: {  	_ =	shalt  }
0x6b: {  	_ =	shalt  }
0x6c: {  	_ =	shalt  }
0x6d: {  	_ =	shalt  }
0x6e: {  	_ =	shalt  }
0x6f: {  	_ =	shalt  }
0x70: {  	_ =	shalt  }
0x71: {  	_ =	shalt  }
0x72: {  	_ =	shalt  }
0x73: {  	_ =	shalt  }
0x74: {  	_ =	shalt  }
0x75: {  	_ =	shalt  }
0x76: {  	_ =	shalt  }
0x77: {  	_ =	shalt  }
0x78: {  	_ =	shalt  }
0x79: {  	_ =	shalt  }
0x7a: {  	_ =	shalt  }
0x7b: {  	_ =	shalt  }
0x7c: {  	_ =	shalt  }
0x7d: {  	_ =	shalt  }
0x7e: {  	_ =	shalt  }
0x7f: {  	_ =	shalt  }
0x80: {  	_ =	shalt  }
0x81: {  	_ =	shalt  }
0x82: {  	_ =	shalt  }
0x83: {  	_ =	shalt  }
0x84: {  	_ =	shalt  }
0x85: {  	_ =	shalt  }
0x86: {  	_ =	shalt  }
0x87: {  	_ =	shalt  }
.Lfunc_end0:
.L_simem_size_0:
called_computation_lowered:
.L_overlay_start_0:
0x88: {  	s2 =	sld [smem:$0x3FD9]  }
0x89: {  	s3 =	sld [smem:$0x3FFE];
	_ =	sdelay $0x1  }
0x8a: {  	s1 =	srdreg.scid  }
0x8b: {  	s0 =	sand.u32 $0x1, s1  }
0x8c: {  	s16 =	sshll.u32 s0, $0xA;
	s2 =	sadd.s32 s3, s2  }
0x8d: {  	s2 =	sadd.s32 s2, s16  }
0x8e: {  	[smem:$0x3FC7] =	sst s2  }
0x8f: {  	_ = 	snop  }
0x90: {  	(tm) =	ssettm $0x1  }
0x91: {  	s17 =	sld [smem:$0x3FFB];
	_ =	sdelay $0x3  }
0x92: {  	_ =	strace s17  }
0x93: {  	s2 =	sld [smem:$0x3FFC];
	_ =	sdelay $0x3  }
0x94: {  	_ =	strace s2  }
0x95: {  	s2 =	sld [smem:$0x3FFD];
	_ =	sdelay $0x3  }
0x96: {  	_ =	strace s2  }
0x97: {  	_ =	strace $0x8FFFFFFF  }
0x98: {  	s18 =	sld [smem:$0x3FDB];
	_ =	sdelay $0x1  }
0x99: {  	s19 =	simm.s32 $_scs_section_size  }
0x9a: {  	s4 =	simm.s32 $_size__tile_overlayer_lowered;
	s5 =	simm.s32 $_tile_overlayer_lowered  }
0x9b: {  	s22 =	simm.s32 $0x1BFF;
	s21 =	sshll.u32 s5, $0x1;
	s2 =	sadd.s32 s19, s18  }
0x9c: {  	s6 =	simm.s32 $0x0;
	s20 =	sshll.u32 s4, $0x1;
	s4 =	sadd.s32 s21, s2  }
0x9d: {  	[timem:s6], [sflag:s22] =	dma.local [hbm:s4], s20  }
0x9e: {  	_ =	swait.ge [sflag:s22], s20  }
0x9f: {  	s3 =	ssub.s32 $0x0, s20;
	[sflag:s22] =	ssyncset.done $0x0  }
0xa0: {  	[sflag:s22] =	ssyncadd.s32 s3;
	_ =	sdelay $0x1  }
0xa1: {  	s23 =	simm.s32 $0x1B8B  }
0xa2: {  	_ =	swait.ge [sflag:s23], $0x1  }
0xa3: {  	[sflag:s23] =	ssyncset.done $0x0  }
0xa4: {  	s25 =	simm.s32 $0x1B8E;
	s24 =	sld [smem:$0x3FFE];
	[sflag:s23] =	ssyncadd.s32 $0xFFFFFFFF  }
0xa5: {  	s26 =	simm.s32 $execute0_lowered;
	[smem:$0x3FD2] =	sst s25  }
0xa6: {  	s4 =	sshll.u32 s26, $0x1;
	_ =	strace $0x80000046;
	[dreg:$0x1] =	wrdreg $0xFFFFFFFF  }
0xa7: {  	s28 =	simm.s32 $_size_execute0_lowered;
	s2 =	sadd.s32 s2, s4;
	[dreg:$0x0] =	wrdreg $0x0  }
0xa8: {  	s4 =	sshll.u32 s28, $0x1;
	[dreg:$0x2] =	wrdreg s2  }
0xa9: {  	[dreg:$0x3] =	wrdreg s4  }
0xaa: {  	[dreg:$0x4] =	wrdreg $0xC0  }
0xab: {  	_ =	task [dreg:s6], $0x5FFFF  }
0xac: {  	[dreg:$0x1] =	wrdreg $0xFFFFFFFF  }
0xad: {  	[dreg:$0x0] =	wrdreg $0x60  }
0xae: {  	[dreg:$0x2] =	wrdreg s24  }
0xaf: {  	[dreg:$0x3] =	wrdreg $0x9  }
0xb0: {  	_ =	task.clear_ibuf [dreg:s6], $0x4FFFF;
	_ =	strace $0x90000046  }
0xb1: {  	s29 =	simm.s32 $0x9;
	_ =	strace $0x80000048  }
0xb2: {  	_ =	swait.ge [sflag:s29], $0x1  }
0xb3: {  	[sflag:s29] =	ssyncadd.s32 $0xFFFFFFFF  }
0xb4: {  	_ =	strace $0x90000048  }
0xb5: {  	_ =	sfence  }
0xb6: {  	s30 =	sld [smem:$0x0];
	_ =	sdelay $0x2  }
0xb7: {  	s31 =	sshll.u32 s1, $0xD;
	s1 =	sshrl.u32 s1, $0x2  }
0xb8: {  	s3 =	sand.u32 $0x4000, s31;
	s1 =	sadd.s32 s1, s30  }
0xb9: {  	s0 =	sor.u32 s3, s0;
	s1 =	sshll.u32 s1, $0x11  }
0xba: {  	s0 =	sor.u32 s1, s0  }
0xbb: {  	s0 =	sadd.s32 $0x8F2B, s0  }
0xbc: {  	[sflag:s0] =	ssyncadd.remote.s32 $0x1  }
0xbd: {  	_ =	sfence.sel $0xFFFF  }
0xbe: {  	[dreg:$0x0] =	wrdreg $0xFFFFFFFF;
	(pc) =	sbr.abs _section_cstart, $3  }
0xbf: {  	[dreg:$0x1] =	wrdreg $0xFFFFFFFF  }
0xc0: {  	_ =	task.clear_ibuf [dreg:s6], $0x2FFFF;
	_ =	strace $0x9FFFFFFF  }
0xc1: {  	(tm) =	ssettm $0x7FFFFFFF  }
tec
execute0_lowered:
.L_overlay_start_1:
0x0: {  	(tag) =	ssettag $0x1  }
0x1: {  	s6 =	rddreg [dreg:$0x0];
	s2 =	srdreg.scid  }
0x2: {  	s0 =	rddreg [dreg:$0x1];
	s1 =	stileid.u32;
	s9 =	simm.s32 $0x4000  }
0x3: {  	s10 =	simm.s32 $0x1;
	s11 =	simm.s32 $0x8000;
	s12 =	simm.s32 $0x2  }
0x4: {  	s13 =	simm.s32 $0x4;
	s14 =	simm.s32 $0xC000;
	s15 =	simm.s32 $0x3  }
0x5: {  	s16 =	simm.s32 $0x0;
	s5 =	sand.u32 $0x1, s2;
	s2 =	simm.s32 $0x0  }
.Ltmp0:
0x6: {  	s3 =	sshll.u32 s1, $0x2;
	s4 =	sshll.u32 s5, $0x1;
	(pc) =	sbr.rel .LBB2_1-.Ltmp0, $4  }
0x7: {  	[smem:$0x7FF] =	sst s2;
	s7 =	ssub.s32 $0x2, s5;
	s3 =	sor.u32 s4, s3  }
0x8: {  	s4 =	sadd.s32 $0x400, s6;
	s8 =	sshrl.u32 s7, $0x1;
	s31 =	sshll.u32 s3, $0xE  }
0x9: {  	_ =	strace $0x80000047;
	s8 =	ssub.s32 s7, s8;
	s5 =	sadd.s32 s4, s31  }
0xa: {  	s6 =	sadd.s32 $0x100400, s6;
	s8 =	smax.u32 s8, $0x1;
	s7 =	sadd.s32 $0x800, s5  }
.LBB2_12:
0xb: {  	s16 =	sadd.s32 $0x1, s16  }
0xc: {  	_ =	swait.ge [sflag:s15], $0x4000;
	p0 =	sne.s32 s16, s8  }
.Ltmp1:
0xd: {  	[sflag:s15] =	ssyncset.done $0x0;
	(pc) =	sbr.rel @!p0 .LBB2_13-.Ltmp1, $4  }
0xe: {  	[sflag:s15] =	ssyncadd.s32 $0xFFFFC000  }
0xf: {  	_ =	swait.ge [sflag:s13], $0x4000  }
0x10: {  	[sflag:s13] =	ssyncset.done $0x0  }
0x11: {  	[sflag:s13] =	ssyncadd.s32 $0xFFFFC000  }
.LBB2_1:
0x12: {  	[tilespmem:s2], [sflag:$0x1] =	stream.linear.gather [hbm4b:s5+s2], $0x4000, $0x38;
	[tilespmem:$0x10000] =	vst v63  }
0x13: {  	s17 =	simm.s32 $0x0  }
0x14: {  	[tilespmem:s9], [sflag:$0x2] =	stream.linear.gather [hbm4b:s7+s2], $0x4000, $0x38;
	[tilespmem:$0x10000] =	vst v63  }
.LBB2_2:
0x15: {  	_ =	swait.ge [sflag:s10], $0x4000  }
0x16: {  	p0 =	seq.s32 s17, $0x0;
	[sflag:s10] =	ssyncset.done $0x0  }
0x17: {  	s18 =	simm.s32 @!p0 $0x3;
	[sflag:s10] =	ssyncadd.s32 $0xFFFFC000  }
0x18: {  	_ =	swait.ge @!p0 [sflag:s18], $0x4000  }
0x19: {  	[sflag:s18] =	ssyncset.done @!p0 $0x0  }
0x1a: {  	s19 =	simm.s32 $0x0;
	[sflag:s18] =	ssyncadd.s32 @!p0 $0xFFFFC000  }
0x1b: {  	v0 =	vld [tilespmem:s19+$0xB0]  }
0x1c: {  	v1 =	vld [tilespmem:s19+$0x0]  }
0x1d: {  	v2 =	vld [tilespmem:s19+$0x10]  }
0x1e: {  	v4 =	vld [tilespmem:s19+$0x30]  }
0x1f: {  	v5 =	vld [tilespmem:s19+$0x80]  }
0x20: {  	v8 =	vld [tilespmem:s19+$0x90]  }
0x21: {  	v10 =	vld [tilespmem:s19+$0xA0]  }
0x22: {  	v3 =	vld [tilespmem:s19+$0x20];
	_ =	sdelay $0x1  }
0x23: {  	v6 =	vmax.f32 v0, $-1.000000010e-01;
	v7 =	vmax.f32 v1, $-1.000000010e-01;
	v9 =	vmax.f32 v2, $-1.000000010e-01  }
0x24: {  	v51 =	vmax.f32 v4, $-1.000000010e-01;
	v52 =	vmax.f32 v5, $-1.000000010e-01;
	v12 =	vmax.f32 v8, $-1.000000010e-01  }
0x25: {  	v53 =	vmax.f32 v10, $-1.000000010e-01;
	v6 =	vmin.f32 v6, $1.000000010e-01;
	v7 =	vmin.f32 v7, $1.000000010e-01  }
0x26: {  	v0 =	vsub.f32 v0, v6;
	v1 =	vsub.f32 v1, v7;
	v7 =	vmax.f32 v3, $-1.000000010e-01  }
0x27: {  	v6 =	vmin.f32 v9, $1.000000010e-01;
	v9 =	vmin.f32 v52, $1.000000010e-01;
	v7 =	vmin.f32 v7, $1.000000010e-01  }
0x28: {  	v2 =	vsub.f32 v2, v6;
	v6 =	vmin.f32 v51, $1.000000010e-01;
	v5 =	vsub.f32 v5, v9  }
0x29: {  	v11 =	vmul.f32 $7.500000000e+00, v0;
	v3 =	vsub.f32 v3, v7;
	v7 =	vmin.f32 v12, $1.000000010e-01  }
0x2a: {  	v4 =	vsub.f32 v4, v6;
	v6 =	vmin.f32 v53, $1.000000010e-01;
	v54 =	vmul.f32 $7.500000000e+00, v1  }
0x2b: {  	v1 =	vand.u32 $0x7FFFFFFF, v1;
	v0 =	vand.u32 $0x7FFFFFFF, v0;
	v7 =	vsub.f32 v8, v7  }
0x2c: {  	v6 =	vsub.f32 v10, v6;
	v55 =	vmul.f32 $7.500000000e+00, v2;
	v13 =	vmul.f32 $7.500000000e+00, v5  }
0x2d: {  	vm0 =	vlt.f32 v0, $9.999999970e-07;
	v2 =	vand.u32 $0x7FFFFFFF, v2;
	v5 =	vand.u32 $0x7FFFFFFF, v5  }
0x2e: {  	vm3 =	vlt.f32 v1, $9.999999970e-07;
	v11 =	vadd.f32 $8.000000000e+00, v11;
	v9 =	vadd.f32 $8.000000000e+00, v54  }
0x2f: {  	v56 =	vmul.f32 $7.500000000e+00, v3;
	v57 =	vmul.f32 $7.500000000e+00, v4;
	v10 =	vadd.f32 $8.000000000e+00, v55  }
0x30: {  	v14 =	vmul.f32 $7.500000000e+00, v7;
	v15 =	vmul.f32 $7.500000000e+00, v6;
	v13 =	vadd.f32 $8.000000000e+00, v13  }
0x31: {  	v60 =	vand.u32 $0x7FFFFFFF, v7;
	v11 =	vmax.f32 v11, $5.000000000e-01;
	v12 =	vadd.f32 $8.000000000e+00, v57  }
0x32: {  	v9 =	vmax.f32 v9, $5.000000000e-01;
	v8 =	vmin.f32 v11, $1.550000000e+01;
	v11 =	vadd.f32 $8.000000000e+00, v56  }
0x33: {  	v14 =	vadd.f32 $8.000000000e+00, v14;
	v15 =	vadd.f32 $8.000000000e+00, v15;
	v10 =	vmax.f32 v10, $5.000000000e-01  }
0x34: {  	v0 =	vmax.f32 v13, $5.000000000e-01;
	v9 =	vmin.f32 v9, $1.550000000e+01;
	v8 =	vtrunc.f32 v8  }
0x35: {  	v12 =	vmax.f32 v12, $5.000000000e-01;
	v10 =	vmin.f32 v10, $1.550000000e+01;
	v0 =	vmin.f32 v0, $1.550000000e+01  }
0x36: {  	v9 =	vtrunc.f32 v9;
	v8 =	vcvt.f32.s32 v8;
	v11 =	vmax.f32 v11, $5.000000000e-01  }
0x37: {  	v58 =	vmax.f32 v14, $5.000000000e-01;
	v59 =	vmax.f32 v15, $5.000000000e-01;
	v10 =	vtrunc.f32 v10  }
0x38: {  	v12 =	vmin.f32 v12, $1.550000000e+01;
	v0 =	vtrunc.f32 v0;
	v9 =	vcvt.f32.s32 v9  }
0x39: {  	v11 =	vmin.f32 v11, $1.550000000e+01;
	v12 =	vtrunc.f32 v12;
	v10 =	vcvt.f32.s32 v10  }
0x3a: {  	v13 =	vmin.f32 v58, $1.550000000e+01;
	v7 =	vcvt.f32.s32 v0;
	v8 =	vcvt.s32.f32 v8  }
0x3b: {  	v14 =	vmin.f32 v59, $1.550000000e+01;
	v11 =	vtrunc.f32 v11;
	v13 =	vtrunc.f32 v13  }
0x3c: {  	v3 =	vand.u32 $0x7FFFFFFF, v3;
	v14 =	vtrunc.f32 v14;
	v12 =	vcvt.f32.s32 v12  }
0x3d: {  	v0 =	vand.u32 $0x7FFFFFFF, v6;
	v6 =	vcvt.s32.f32 v9;
	v11 =	vcvt.f32.s32 v11  }
0x3e: {  	v4 =	vand.u32 $0x7FFFFFFF, v4;
	v13 =	vcvt.f32.s32 v13;
	v1 =	vcvt.f32.s32 v14  }
0x3f: {  	vm4 =	vlt.f32 v5, $9.999999970e-07;
	v61 =	vcvt.s32.f32 v10;
	v8 =	vmul.f32 $1.333333400e-01, v8  }
0x40: {  	vm1 =	vlt.f32 v3, $9.999999970e-07;
	v63 =	vcvt.s32.f32 v12;
	v6 =	vmul.f32 $1.333333400e-01, v6  }
0x41: {  	v62 =	vcvt.s32.f32 v11;
	v3 =	vcvt.s32.f32 v13;
	v8 =	vadd.f32 $-1.000000000e+00, v8  }
0x42: {  	s20 =	sshrl.u32 s17, $0x2;
	vm2 =	vlt.f32 v4, $9.999999970e-07;
	v1 =	vcvt.s32.f32 v1;
	v4 =	vmul.f32 $1.333333400e-01, v61  }
0x43: {  	s21 =	sor.u32 s3, s20;
	s20 =	simm.s32 $0x800;
	v8 =	vsel vm0, $0x0, v8;
	vm0 =	vlt.f32 v2, $9.999999970e-07;
	v2 =	vcvt.s32.f32 v7  }
0x44: {  	s22 =	simm.s32 $0x100;
	s18 =	sshll.u32 s17, $0x1;
	vm5 =	vlt.f32 v60, $9.999999970e-07;
	v5 =	vmul.f32 $1.333333400e-01, v63;
	v7 =	vmul.f32 $1.333333400e-01, v62;
	[tilespmem:s19+$0x80B0] =	vst v8  }
.LBB2_3:
0x45: {  	p1 =	sne.s32 s20, $0xFC00;
	v8 =	vld [tilespmem:s22+$0xB0];
	v6 =	vadd.f32 $-1.000000000e+00, v6;
	v2 =	vmul.f32 $1.333333400e-01, v2;
	v3 =	vmul.f32 $1.333333400e-01, v3  }
0x46: {  	v4 =	vadd.f32 $-1.000000000e+00, v4;
	v1 =	vmul.f32 $1.333333400e-01, v1;
	v9 =	vld [tilespmem:s22+$0x0];
	v7 =	vadd.f32 $-1.000000000e+00, v7  }
0x47: {  	vm6 =	vlt.f32 v0, $9.999999970e-07;
	v5 =	vadd.f32 $-1.000000000e+00, v5;
	v10 =	vld [tilespmem:s22+$0x10];
	v2 =	vadd.f32 $-1.000000000e+00, v2  }
0x48: {  	v6 =	vsel vm3, $0x0, v6;
	v3 =	vadd.f32 $-1.000000000e+00, v3;
	v1 =	vadd.f32 $-1.000000000e+00, v1;
	v0 =	vld [tilespmem:s22+$0x20]  }
0x49: {  	v4 =	vsel vm0, $0x0, v4;
	v5 =	vsel vm2, $0x0, v5;
	v11 =	vld [tilespmem:s22+$0x30];
	[tilespmem:s19+$0x8000] =	vst v6;
	v6 =	vsel vm1, $0x0, v7  }
0x4a: {  	v2 =	vsel vm4, $0x0, v2;
	v3 =	vsel vm5, $0x0, v3;
	v7 =	vld [tilespmem:s22+$0x80];
	v12 =	vmax.f32 v8, $-1.000000010e-01;
	[tilespmem:s19+$0x8010] =	vst v4  }
0x4b: {  	v1 =	vsel vm6, $0x0, v1;
	v4 =	vmax.f32 v9, $-1.000000010e-01;
	v13 =	vld [tilespmem:s22+$0x90];
	v12 =	vmin.f32 v12, $1.000000010e-01;
	[tilespmem:s19+$0x8020] =	vst v6  }
0x4c: {  	v4 =	vmin.f32 v4, $1.000000010e-01;
	v6 =	vmax.f32 v10, $-1.000000010e-01;
	v14 =	vld [tilespmem:s22+$0xA0];
	v8 =	vsub.f32 v8, v12;
	[tilespmem:s19+$0x8030] =	vst v5  }
0x4d: {  	v4 =	vsub.f32 v9, v4;
	v5 =	vmin.f32 v6, $1.000000010e-01;
	v6 =	vmax.f32 v0, $-1.000000010e-01;
	[tilespmem:s19+$0x8080] =	vst v2  }
0x4e: {  	v2 =	vmin.f32 v6, $1.000000010e-01;
	v6 =	vmax.f32 v11, $-1.000000010e-01;
	v9 =	vmul.f32 $7.500000000e+00, v8;
	[tilespmem:s19+$0x8090] =	vst v3  }
0x4f: {  	v3 =	vsub.f32 v10, v5;
	v5 =	vmin.f32 v6, $1.000000010e-01;
	v6 =	vmax.f32 v7, $-1.000000010e-01;
	[tilespmem:s19+$0x80A0] =	vst v1;
	s19 =	smov.u32 s22  }
0x50: {  	v1 =	vmin.f32 v6, $1.000000010e-01;
	v6 =	vmax.f32 v13, $-1.000000010e-01;
	v9 =	vadd.f32 $8.000000000e+00, v9  }
0x51: {  	v0 =	vsub.f32 v0, v2;
	v2 =	vmin.f32 v6, $1.000000010e-01;
	v6 =	vmax.f32 v14, $-1.000000010e-01  }
0x52: {  	v5 =	vsub.f32 v11, v5;
	v6 =	vmin.f32 v6, $1.000000010e-01;
	v9 =	vmax.f32 v9, $5.000000000e-01  }
0x53: {  	v1 =	vsub.f32 v7, v1;
	v2 =	vsub.f32 v13, v2;
	v7 =	vmin.f32 v9, $1.550000000e+01  }
0x54: {  	v9 =	vmul.f32 $7.500000000e+00, v4;
	v6 =	vsub.f32 v14, v6;
	v7 =	vtrunc.f32 v7  }
0x55: {  	v10 =	vmul.f32 $7.500000000e+00, v3;
	v4 =	vand.u32 $0x7FFFFFFF, v4;
	v7 =	vcvt.f32.s32 v7  }
0x56: {  	v11 =	vmul.f32 $7.500000000e+00, v0;
	v12 =	vmul.f32 $7.500000000e+00, v5;
	v9 =	vadd.f32 $8.000000000e+00, v9  }
0x57: {  	v10 =	vadd.f32 $8.000000000e+00, v10;
	v13 =	vmul.f32 $7.500000000e+00, v1;
	v7 =	vcvt.s32.f32 v7  }
0x58: {  	v11 =	vadd.f32 $8.000000000e+00, v11;
	v14 =	vmul.f32 $7.500000000e+00, v2;
	v15 =	vmul.f32 $7.500000000e+00, v6  }
0x59: {  	v12 =	vadd.f32 $8.000000000e+00, v12;
	v13 =	vadd.f32 $8.000000000e+00, v13;
	v7 =	vmul.f32 $1.333333400e-01, v7  }
0x5a: {  	v14 =	vadd.f32 $8.000000000e+00, v14;
	v9 =	vmax.f32 v9, $5.000000000e-01;
	v15 =	vadd.f32 $8.000000000e+00, v15  }
0x5b: {  	v8 =	vand.u32 $0x7FFFFFFF, v8;
	v10 =	vmax.f32 v10, $5.000000000e-01;
	v7 =	vadd.f32 $-1.000000000e+00, v7  }
0x5c: {  	vm0 =	vlt.f32 v8, $9.999999970e-07;
	v11 =	vmax.f32 v11, $5.000000000e-01;
	v12 =	vmax.f32 v12, $5.000000000e-01  }
0x5d: {  	v8 =	vmax.f32 v13, $5.000000000e-01;
	v13 =	vmax.f32 v14, $5.000000000e-01;
	v7 =	vsel vm0, $0x0, v7  }
0x5e: {  	v10 =	vmin.f32 v10, $1.550000000e+01;
	v9 =	vmin.f32 v9, $1.550000000e+01;
	v14 =	vmax.f32 v15, $5.000000000e-01;
	[tilespmem:s19+$0x80B0] =	vst v7  }
0x5f: {  	v8 =	vmin.f32 v8, $1.550000000e+01;
	v7 =	vmin.f32 v11, $1.550000000e+01;
	v11 =	vmin.f32 v12, $1.550000000e+01  }
0x60: {  	v9 =	vtrunc.f32 v9;
	v12 =	vmin.f32 v13, $1.550000000e+01;
	v13 =	vmin.f32 v14, $1.550000000e+01  }
0x61: {  	v3 =	vand.u32 $0x7FFFFFFF, v3;
	v10 =	vtrunc.f32 v10;
	v7 =	vtrunc.f32 v7  }
0x62: {  	v8 =	vtrunc.f32 v8;
	v14 =	vand.u32 $0x7FFFFFFF, v0;
	v0 =	vtrunc.f32 v11  }
0x63: {  	v5 =	vand.u32 $0x7FFFFFFF, v5;
	v11 =	vtrunc.f32 v12;
	v12 =	vtrunc.f32 v13  }
0x64: {  	v10 =	vcvt.f32.s32 v10;
	v9 =	vcvt.f32.s32 v9;
	v13 =	vand.u32 $0x7FFFFFFF, v1  }
0x65: {  	v15 =	vand.u32 $0x7FFFFFFF, v2;
	v1 =	vcvt.f32.s32 v7;
	v7 =	vcvt.f32.s32 v0  }
0x66: {  	v2 =	vcvt.f32.s32 v8;
	v8 =	vcvt.f32.s32 v11;
	v0 =	vand.u32 $0x7FFFFFFF, v6  }
0x67: {  	vm3 =	vlt.f32 v4, $9.999999970e-07;
	v6 =	vcvt.s32.f32 v9;
	v4 =	vcvt.f32.s32 v12  }
.Ltmp2:
0x68: {  	vm0 =	vlt.f32 v3, $9.999999970e-07;
	v9 =	vcvt.s32.f32 v10;
	v10 =	vcvt.s32.f32 v1;
	(pc) =	sbr.rel @p1 .LBB2_3-.Ltmp2, $4  }
0x69: {  	v2 =	vcvt.s32.f32 v2;
	vm1 =	vlt.f32 v14, $9.999999970e-07;
	v11 =	vcvt.s32.f32 v7  }
0x6a: {  	vm2 =	vlt.f32 v5, $9.999999970e-07;
	v3 =	vcvt.s32.f32 v8;
	v1 =	vcvt.s32.f32 v4  }
0x6b: {  	vm4 =	vlt.f32 v13, $9.999999970e-07;
	v6 =	vmul.f32 $1.333333400e-01, v6;
	v4 =	vmul.f32 $1.333333400e-01, v9  }
0x6c: {  	s22 =	sshra.s32 s20, $0x2;
	s20 =	sadd.s32 $0x400, s20;
	vm5 =	vlt.f32 v15, $9.999999970e-07;
	v7 =	vmul.f32 $1.333333400e-01, v10;
	v5 =	vmul.f32 $1.333333400e-01, v11  }
0x6d: {  	v8 =	vld [tilespmem:s22+$0xB0]  }
0x6e: {  	v9 =	vld [tilespmem:s22+$0x0]  }
0x6f: {  	v6 =	vadd.f32 $-1.000000000e+00, v6;
	v10 =	vld [tilespmem:s22+$0x10];
	v2 =	vmul.f32 $1.333333400e-01, v2;
	v3 =	vmul.f32 $1.333333400e-01, v3  }
0x70: {  	v11 =	vld [tilespmem:s22+$0x20];
	v4 =	vadd.f32 $-1.000000000e+00, v4;
	v1 =	vmul.f32 $1.333333400e-01, v1;
	vm7 =	vlt.f32 v0, $9.999999970e-07  }
0x71: {  	v12 =	vld [tilespmem:s22+$0x30];
	v7 =	vadd.f32 $-1.000000000e+00, v7;
	v5 =	vadd.f32 $-1.000000000e+00, v5;
	v6 =	vsel vm3, $0x0, v6  }
0x72: {  	v2 =	vadd.f32 $-1.000000000e+00, v2;
	v31 =	vadd.f32 $-1.000000000e+00, v3;
	v32 =	vsel vm0, $0x0, v4  }
0x73: {  	v1 =	vadd.f32 $-1.000000000e+00, v1;
	v34 =	vsel vm1, $0x0, v7;
	v5 =	vsel vm2, $0x0, v5  }
0x74: {  	[tilespmem:s19+$0x8000] =	vst v6;
	v2 =	vsel vm4, $0x0, v2;
	v0 =	vsel vm5, $0x0, v31;
	v35 =	vmax.f32 v8, $-1.000000010e-01  }
0x75: {  	v33 =	vld [tilespmem:s22+$0x80];
	v13 =	vmax.f32 v9, $-1.000000010e-01;
	v38 =	vmax.f32 v10, $-1.000000010e-01;
	v40 =	vmax.f32 v11, $-1.000000010e-01  }
0x76: {  	v41 =	vmax.f32 v12, $-1.000000010e-01;
	v3 =	vmin.f32 v35, $1.000000010e-01;
	v37 =	vmin.f32 v13, $1.000000010e-01  }
0x77: {  	[tilespmem:s19+$0x8010] =	vst v32;
	v39 =	vmin.f32 v38, $1.000000010e-01;
	v42 =	vmin.f32 v41, $1.000000010e-01;
	v3 =	vsub.f32 v8, v3  }
0x78: {  	v36 =	vld [tilespmem:s22+$0x90];
	v6 =	vsub.f32 v9, v37;
	v9 =	vmin.f32 v40, $1.000000010e-01;
	v8 =	vsub.f32 v10, v39  }
0x79: {  	v1 =	vsel vm7, $0x0, v1;
	v10 =	vsub.f32 v12, v42;
	v9 =	vsub.f32 v11, v9  }
0x7a: {  	[tilespmem:s19+$0x8020] =	vst v34;
	v15 =	vmul.f32 $7.500000000e+00, v3;
	v43 =	vmax.f32 v33, $-1.000000010e-01;
	v48 =	vmul.f32 $7.500000000e+00, v6  }
0x7b: {  	v14 =	vld [tilespmem:s22+$0xA0];
	v6 =	vand.u32 $0x7FFFFFFF, v6;
	v49 =	vmul.f32 $7.500000000e+00, v8;
	v3 =	vand.u32 $0x7FFFFFFF, v3  }
0x7c: {  	v51 =	vmul.f32 $7.500000000e+00, v10;
	v8 =	vand.u32 $0x7FFFFFFF, v8;
	v10 =	vand.u32 $0x7FFFFFFF, v10  }
0x7d: {  	v13 =	vmin.f32 v43, $1.000000010e-01;
	v16 =	vmax.f32 v36, $-1.000000010e-01;
	v50 =	vmul.f32 $7.500000000e+00, v9  }
0x7e: {  	vm8 =	vlt.f32 v3, $9.999999970e-07;
	vm9 =	vlt.f32 v6, $9.999999970e-07;
	vm10 =	vlt.f32 v8, $9.999999970e-07  }
0x7f: {  	v9 =	vand.u32 $0x7FFFFFFF, v9;
	vm12 =	vlt.f32 v10, $9.999999970e-07;
	v15 =	vadd.f32 $8.000000000e+00, v15  }
0x80: {  	v44 =	vmin.f32 v16, $1.000000010e-01;
	v45 =	vmax.f32 v14, $-1.000000010e-01;
	v4 =	vsub.f32 v33, v13  }
0x81: {  	v13 =	vadd.f32 $8.000000000e+00, v48;
	v16 =	vadd.f32 $8.000000000e+00, v51;
	vm11 =	vlt.f32 v9, $9.999999970e-07  }
0x82: {  	v46 =	vmin.f32 v45, $1.000000010e-01;
	v7 =	vsub.f32 v36, v44;
	v15 =	vmax.f32 v15, $5.000000000e-01  }
0x83: {  	v12 =	vsub.f32 v14, v46;
	v14 =	vadd.f32 $8.000000000e+00, v49;
	v52 =	vmul.f32 $7.500000000e+00, v4  }
0x84: {  	v13 =	vmax.f32 v13, $5.000000000e-01;
	v16 =	vmax.f32 v16, $5.000000000e-01;
	v47 =	vmin.f32 v15, $1.550000000e+01  }
0x85: {  	v15 =	vadd.f32 $8.000000000e+00, v50;
	v53 =	vmul.f32 $7.500000000e+00, v7;
	v13 =	vmin.f32 v13, $1.550000000e+01  }
0x86: {  	v16 =	vmin.f32 v16, $1.550000000e+01;
	v11 =	vtrunc.f32 v47;
	v54 =	vmul.f32 $7.500000000e+00, v12  }
0x87: {  	v3 =	vadd.f32 $8.000000000e+00, v52;
	v14 =	vmax.f32 v14, $5.000000000e-01;
	v13 =	vtrunc.f32 v13  }
0x88: {  	v16 =	vtrunc.f32 v16;
	v11 =	vcvt.f32.s32 v11;
	v6 =	vadd.f32 $8.000000000e+00, v53  }
0x89: {  	v15 =	vmax.f32 v15, $5.000000000e-01;
	v14 =	vmin.f32 v14, $1.550000000e+01;
	v13 =	vcvt.f32.s32 v13  }
0x8a: {  	v16 =	vcvt.f32.s32 v16;
	v8 =	vadd.f32 $8.000000000e+00, v54;
	v3 =	vmax.f32 v3, $5.000000000e-01  }
0x8b: {  	v15 =	vmin.f32 v15, $1.550000000e+01;
	v14 =	vtrunc.f32 v14;
	v11 =	vcvt.s32.f32 v11  }
0x8c: {  	v6 =	vmax.f32 v6, $5.000000000e-01;
	v15 =	vtrunc.f32 v15;
	v14 =	vcvt.f32.s32 v14  }
0x8d: {  	v3 =	vmin.f32 v3, $1.550000000e+01;
	v13 =	vcvt.s32.f32 v13;
	v55 =	vcvt.s32.f32 v16  }
0x8e: {  	v6 =	vmin.f32 v6, $1.550000000e+01;
	v3 =	vtrunc.f32 v3;
	v15 =	vcvt.f32.s32 v15  }
0x8f: {  	v4 =	vand.u32 $0x7FFFFFFF, v4;
	v11 =	vmul.f32 $1.333333400e-01, v11;
	v6 =	vtrunc.f32 v6  }
0x90: {  	v8 =	vmax.f32 v8, $5.000000000e-01;
	v3 =	vcvt.f32.s32 v3;
	v14 =	vcvt.s32.f32 v14  }
0x91: {  	[tilespmem:s19+$0x8030] =	vst v5;
	v8 =	vmin.f32 v8, $1.550000000e+01;
	v56 =	vmul.f32 $1.333333400e-01, v13;
	v5 =	vmul.f32 $1.333333400e-01, v55  }
0x92: {  	v7 =	vand.u32 $0x7FFFFFFF, v7;
	v8 =	vtrunc.f32 v8;
	v6 =	vcvt.f32.s32 v6  }
0x93: {  	vm13 =	vlt.f32 v4, $9.999999970e-07;
	v15 =	vcvt.s32.f32 v15;
	v8 =	vcvt.f32.s32 v8  }
0x94: {  	[tilespmem:s19+$0x8080] =	vst v2;
	v11 =	vadd.f32 $-1.000000000e+00, v11;
	v57 =	vcvt.s32.f32 v3;
	v58 =	vmul.f32 $1.333333400e-01, v14  }
0x95: {  	[tilespmem:s19+$0x8090] =	vst v0;
	v9 =	vadd.f32 $-1.000000000e+00, v56;
	v5 =	vadd.f32 $-1.000000000e+00, v5;
	v59 =	vcvt.s32.f32 v6  }
0x96: {  	[tilespmem:s19+$0x80A0] =	vst v1;
	v60 =	vmul.f32 $1.333333400e-01, v15;
	v11 =	vsel vm8, $0x0, v11;
	v61 =	vcvt.s32.f32 v8  }
0x97: {  	v3 =	vadd.f32 $-1.000000000e+00, v58;
	v2 =	vmul.f32 $1.333333400e-01, v57;
	v62 =	vsel vm9, $0x0, v9;
	[tilespmem:s22+$0x80B0] =	vst v11  }
0x98: {  	v63 =	vsel vm12, $0x0, v5;
	v6 =	vadd.f32 $-1.000000000e+00, v60;
	v0 =	vmul.f32 $1.333333400e-01, v59;
	[tilespmem:s22+$0x8000] =	vst v62  }
0x99: {  	[tilespmem:s22+$0x8030] =	vst v63;
	v3 =	vsel vm10, $0x0, v3;
	v1 =	vmul.f32 $1.333333400e-01, v61;
	v2 =	vadd.f32 $-1.000000000e+00, v2  }
0x9a: {  	p1 =	sne.s32 s17, $0x7;
	v12 =	vand.u32 $0x7FFFFFFF, v12;
	v6 =	vsel vm11, $0x0, v6;
	[tilespmem:s22+$0x8010] =	vst v3;
	v0 =	vadd.f32 $-1.000000000e+00, v0  }
.Ltmp3:
0x9b: {  	s30 =	sshll.u32 s17, $0xC;
	vm14 =	vlt.f32 v7, $9.999999970e-07;
	[tilespmem:s22+$0x8020] =	vst v6;
	v1 =	vadd.f32 $-1.000000000e+00, v1;
	v2 =	vsel vm13, $0x0, v2;
	(pc) =	sbr.rel @p1 .LBB2_6-.Ltmp3, $4  }
0x9c: {  	s20 =	sand.u32 $0x3000, s30;
	vm15 =	vlt.f32 v12, $9.999999970e-07;
	v0 =	vsel vm14, $0x0, v0;
	[tilespmem:s22+$0x8080] =	vst v2  }
0x9d: {  	s31 =	sadd.s32 s6, s20;
	s19 =	sshll.u32 s21, $0xE;
	v1 =	vsel vm15, $0x0, v1;
	[tilespmem:s22+$0x8090] =	vst v0  }
0x9e: {  	s21 =	sadd.s32 s19, s31;
	[tilespmem:s22+$0x80A0] =	vst v1  }
0x9f: {  	[hbm4b:s21+s2] =	stream.linear.scatter [tilespmem:s11], [sflag:$0x3], $0x4000, $0x38;
	[tilespmem:$0x10000] =	vst v63  }
.Ltmp4:
0xa0: {  	(pc) =	sbr.rel .LBB2_7-.Ltmp4, $4  }
0xa1: {  	_ = 	snop  }
0xa2: {  	_ =	swait.ge [sflag:s12], $0x4000  }
0xa3: {  	[sflag:s12] =	ssyncset.done $0x0  }
0xa4: {  	[sflag:s12] =	ssyncadd.s32 $0xFFFFC000  }
.LBB2_6:
0xa5: {  	s21 =	sadd.s32 $0x2, s18  }
0xa6: {  	s22 =	sshrl.u32 s21, $0x3;
	s21 =	sshll.u32 s21, $0xB  }
0xa7: {  	s22 =	sadd.s32 s3, s22;
	s21 =	sand.u32 $0x3000, s21  }
0xa8: {  	s22 =	sshll.u32 s22, $0xE;
	s21 =	sadd.s32 s4, s21  }
.Ltmp5:
0xa9: {  	s21 =	sadd.s32 s22, s21;
	(pc) =	sbr.rel @p0 .LBB2_8-.Ltmp5, $4  }
0xaa: {  	[tilespmem:s2], [sflag:$0x1] =	stream.linear.gather [hbm4b:s21+s2], $0x4000, $0x38;
	[tilespmem:$0x10000] =	vst v63  }
0xab: {  	_ =	swait.ge [sflag:s12], $0x4000  }
0xac: {  	[sflag:s12] =	ssyncset.done $0x0  }
0xad: {  	[sflag:s12] =	ssyncadd.s32 $0xFFFFC000  }
.LBB2_7:
0xae: {  	_ =	swait.ge [sflag:s13], $0x4000  }
0xaf: {  	[sflag:s13] =	ssyncset.done $0x0  }
0xb0: {  	[sflag:s13] =	ssyncadd.s32 $0xFFFFC000  }
.LBB2_8:
0xb1: {  	s21 =	simm.s32 $0x0  }
0xb2: {  	v0 =	vld [tilespmem:s21+$0x40B0]  }
0xb3: {  	v1 =	vld [tilespmem:s21+$0x4000]  }
0xb4: {  	v2 =	vld [tilespmem:s21+$0x4010]  }
0xb5: {  	v4 =	vld [tilespmem:s21+$0x4030]  }
0xb6: {  	v5 =	vld [tilespmem:s21+$0x4080]  }
0xb7: {  	v8 =	vld [tilespmem:s21+$0x4090]  }
0xb8: {  	v10 =	vld [tilespmem:s21+$0x40A0]  }
0xb9: {  	v3 =	vld [tilespmem:s21+$0x4020];
	_ =	sdelay $0x1  }
0xba: {  	v6 =	vmax.f32 v0, $-1.000000010e-01;
	v7 =	vmax.f32 v1, $-1.000000010e-01;
	v9 =	vmax.f32 v2, $-1.000000010e-01  }
0xbb: {  	v51 =	vmax.f32 v4, $-1.000000010e-01;
	v52 =	vmax.f32 v5, $-1.000000010e-01;
	v12 =	vmax.f32 v8, $-1.000000010e-01  }
0xbc: {  	v53 =	vmax.f32 v10, $-1.000000010e-01;
	v6 =	vmin.f32 v6, $1.000000010e-01;
	v7 =	vmin.f32 v7, $1.000000010e-01  }
0xbd: {  	v0 =	vsub.f32 v0, v6;
	v1 =	vsub.f32 v1, v7;
	v7 =	vmax.f32 v3, $-1.000000010e-01  }
0xbe: {  	v6 =	vmin.f32 v9, $1.000000010e-01;
	v9 =	vmin.f32 v52, $1.000000010e-01;
	v7 =	vmin.f32 v7, $1.000000010e-01  }
0xbf: {  	v2 =	vsub.f32 v2, v6;
	v6 =	vmin.f32 v51, $1.000000010e-01;
	v5 =	vsub.f32 v5, v9  }
0xc0: {  	v11 =	vmul.f32 $7.500000000e+00, v0;
	v3 =	vsub.f32 v3, v7;
	v7 =	vmin.f32 v12, $1.000000010e-01  }
0xc1: {  	v4 =	vsub.f32 v4, v6;
	v6 =	vmin.f32 v53, $1.000000010e-01;
	v54 =	vmul.f32 $7.500000000e+00, v1  }
0xc2: {  	v1 =	vand.u32 $0x7FFFFFFF, v1;
	v0 =	vand.u32 $0x7FFFFFFF, v0;
	v7 =	vsub.f32 v8, v7  }
0xc3: {  	v6 =	vsub.f32 v10, v6;
	v55 =	vmul.f32 $7.500000000e+00, v2;
	v13 =	vmul.f32 $7.500000000e+00, v5  }
0xc4: {  	vm0 =	vlt.f32 v0, $9.999999970e-07;
	v2 =	vand.u32 $0x7FFFFFFF, v2;
	v5 =	vand.u32 $0x7FFFFFFF, v5  }
0xc5: {  	vm3 =	vlt.f32 v1, $9.999999970e-07;
	v11 =	vadd.f32 $8.000000000e+00, v11;
	v9 =	vadd.f32 $8.000000000e+00, v54  }
0xc6: {  	v56 =	vmul.f32 $7.500000000e+00, v3;
	v57 =	vmul.f32 $7.500000000e+00, v4;
	v10 =	vadd.f32 $8.000000000e+00, v55  }
0xc7: {  	v14 =	vmul.f32 $7.500000000e+00, v7;
	v15 =	vmul.f32 $7.500000000e+00, v6;
	v13 =	vadd.f32 $8.000000000e+00, v13  }
0xc8: {  	v60 =	vand.u32 $0x7FFFFFFF, v7;
	v11 =	vmax.f32 v11, $5.000000000e-01;
	v12 =	vadd.f32 $8.000000000e+00, v57  }
0xc9: {  	v9 =	vmax.f32 v9, $5.000000000e-01;
	v8 =	vmin.f32 v11, $1.550000000e+01;
	v11 =	vadd.f32 $8.000000000e+00, v56  }
0xca: {  	v14 =	vadd.f32 $8.000000000e+00, v14;
	v15 =	vadd.f32 $8.000000000e+00, v15;
	v10 =	vmax.f32 v10, $5.000000000e-01  }
0xcb: {  	v0 =	vmax.f32 v13, $5.000000000e-01;
	v9 =	vmin.f32 v9, $1.550000000e+01;
	v8 =	vtrunc.f32 v8  }
0xcc: {  	v12 =	vmax.f32 v12, $5.000000000e-01;
	v10 =	vmin.f32 v10, $1.550000000e+01;
	v0 =	vmin.f32 v0, $1.550000000e+01  }
0xcd: {  	v9 =	vtrunc.f32 v9;
	v8 =	vcvt.f32.s32 v8;
	v11 =	vmax.f32 v11, $5.000000000e-01  }
0xce: {  	v58 =	vmax.f32 v14, $5.000000000e-01;
	v59 =	vmax.f32 v15, $5.000000000e-01;
	v10 =	vtrunc.f32 v10  }
0xcf: {  	v12 =	vmin.f32 v12, $1.550000000e+01;
	v0 =	vtrunc.f32 v0;
	v9 =	vcvt.f32.s32 v9  }
0xd0: {  	v11 =	vmin.f32 v11, $1.550000000e+01;
	v12 =	vtrunc.f32 v12;
	v10 =	vcvt.f32.s32 v10  }
0xd1: {  	v13 =	vmin.f32 v58, $1.550000000e+01;
	v7 =	vcvt.f32.s32 v0;
	v8 =	vcvt.s32.f32 v8  }
0xd2: {  	v14 =	vmin.f32 v59, $1.550000000e+01;
	v11 =	vtrunc.f32 v11;
	v13 =	vtrunc.f32 v13  }
0xd3: {  	v3 =	vand.u32 $0x7FFFFFFF, v3;
	v14 =	vtrunc.f32 v14;
	v12 =	vcvt.f32.s32 v12  }
0xd4: {  	v0 =	vand.u32 $0x7FFFFFFF, v6;
	v6 =	vcvt.s32.f32 v9;
	v11 =	vcvt.f32.s32 v11  }
0xd5: {  	v4 =	vand.u32 $0x7FFFFFFF, v4;
	v13 =	vcvt.f32.s32 v13;
	v1 =	vcvt.f32.s32 v14  }
0xd6: {  	vm4 =	vlt.f32 v5, $9.999999970e-07;
	v61 =	vcvt.s32.f32 v10;
	v8 =	vmul.f32 $1.333333400e-01, v8  }
0xd7: {  	vm1 =	vlt.f32 v3, $9.999999970e-07;
	v63 =	vcvt.s32.f32 v12;
	v6 =	vmul.f32 $1.333333400e-01, v6  }
0xd8: {  	v62 =	vcvt.s32.f32 v11;
	v3 =	vcvt.s32.f32 v13;
	v8 =	vadd.f32 $-1.000000000e+00, v8  }
0xd9: {  	vm2 =	vlt.f32 v4, $9.999999970e-07;
	v1 =	vcvt.s32.f32 v1;
	v4 =	vmul.f32 $1.333333400e-01, v61  }
0xda: {  	s23 =	simm.s32 $0x800;
	v8 =	vsel vm0, $0x0, v8;
	vm0 =	vlt.f32 v2, $9.999999970e-07;
	v2 =	vcvt.s32.f32 v7  }
0xdb: {  	s22 =	simm.s32 $0x100;
	vm5 =	vlt.f32 v60, $9.999999970e-07;
	v5 =	vmul.f32 $1.333333400e-01, v63;
	v7 =	vmul.f32 $1.333333400e-01, v62;
	[tilespmem:s21+$0xC0B0] =	vst v8  }
.LBB2_9:
0xdc: {  	p0 =	sne.s32 s23, $0xFC00;
	v8 =	vld [tilespmem:s22+$0x40B0];
	v6 =	vadd.f32 $-1.000000000e+00, v6;
	v2 =	vmul.f32 $1.333333400e-01, v2;
	v3 =	vmul.f32 $1.333333400e-01, v3  }
0xdd: {  	v4 =	vadd.f32 $-1.000000000e+00, v4;
	v1 =	vmul.f32 $1.333333400e-01, v1;
	v9 =	vld [tilespmem:s22+$0x4000];
	v7 =	vadd.f32 $-1.000000000e+00, v7  }
0xde: {  	vm6 =	vlt.f32 v0, $9.999999970e-07;
	v5 =	vadd.f32 $-1.000000000e+00, v5;
	v10 =	vld [tilespmem:s22+$0x4010];
	v2 =	vadd.f32 $-1.000000000e+00, v2  }
0xdf: {  	v6 =	vsel vm3, $0x0, v6;
	v3 =	vadd.f32 $-1.000000000e+00, v3;
	v1 =	vadd.f32 $-1.000000000e+00, v1;
	v0 =	vld [tilespmem:s22+$0x4020]  }
0xe0: {  	v4 =	vsel vm0, $0x0, v4;
	v5 =	vsel vm2, $0x0, v5;
	v11 =	vld [tilespmem:s22+$0x4030];
	[tilespmem:s21+$0xC000] =	vst v6;
	v6 =	vsel vm1, $0x0, v7  }
0xe1: {  	v2 =	vsel vm4, $0x0, v2;
	v3 =	vsel vm5, $0x0, v3;
	v7 =	vld [tilespmem:s22+$0x4080];
	v12 =	vmax.f32 v8, $-1.000000010e-01;
	[tilespmem:s21+$0xC010] =	vst v4  }
0xe2: {  	v1 =	vsel vm6, $0x0, v1;
	v4 =	vmax.f32 v9, $-1.000000010e-01;
	v13 =	vld [tilespmem:s22+$0x4090];
	v12 =	vmin.f32 v12, $1.000000010e-01;
	[tilespmem:s21+$0xC020] =	vst v6  }
0xe3: {  	v4 =	vmin.f32 v4, $1.000000010e-01;
	v6 =	vmax.f32 v10, $-1.000000010e-01;
	v14 =	vld [tilespmem:s22+$0x40A0];
	v8 =	vsub.f32 v8, v12;
	[tilespmem:s21+$0xC030] =	vst v5  }
0xe4: {  	v4 =	vsub.f32 v9, v4;
	v5 =	vmin.f32 v6, $1.000000010e-01;
	v6 =	vmax.f32 v0, $-1.000000010e-01;
	[tilespmem:s21+$0xC080] =	vst v2  }
0xe5: {  	v2 =	vmin.f32 v6, $1.000000010e-01;
	v6 =	vmax.f32 v11, $-1.000000010e-01;
	v9 =	vmul.f32 $7.500000000e+00, v8;
	[tilespmem:s21+$0xC090] =	vst v3  }
0xe6: {  	v3 =	vsub.f32 v10, v5;
	v5 =	vmin.f32 v6, $1.000000010e-01;
	v6 =	vmax.f32 v7, $-1.000000010e-01;
	[tilespmem:s21+$0xC0A0] =	vst v1;
	s21 =	smov.u32 s22  }
0xe7: {  	v1 =	vmin.f32 v6, $1.000000010e-01;
	v6 =	vmax.f32 v13, $-1.000000010e-01;
	v9 =	vadd.f32 $8.000000000e+00, v9  }
0xe8: {  	v0 =	vsub.f32 v0, v2;
	v2 =	vmin.f32 v6, $1.000000010e-01;
	v6 =	vmax.f32 v14, $-1.000000010e-01  }
0xe9: {  	v5 =	vsub.f32 v11, v5;
	v6 =	vmin.f32 v6, $1.000000010e-01;
	v9 =	vmax.f32 v9, $5.000000000e-01  }
0xea: {  	v1 =	vsub.f32 v7, v1;
	v2 =	vsub.f32 v13, v2;
	v7 =	vmin.f32 v9, $1.550000000e+01  }
0xeb: {  	v9 =	vmul.f32 $7.500000000e+00, v4;
	v6 =	vsub.f32 v14, v6;
	v7 =	vtrunc.f32 v7  }
0xec: {  	v10 =	vmul.f32 $7.500000000e+00, v3;
	v4 =	vand.u32 $0x7FFFFFFF, v4;
	v7 =	vcvt.f32.s32 v7  }
0xed: {  	v11 =	vmul.f32 $7.500000000e+00, v0;
	v12 =	vmul.f32 $7.500000000e+00, v5;
	v9 =	vadd.f32 $8.000000000e+00, v9  }
0xee: {  	v10 =	vadd.f32 $8.000000000e+00, v10;
	v13 =	vmul.f32 $7.500000000e+00, v1;
	v7 =	vcvt.s32.f32 v7  }
0xef: {  	v11 =	vadd.f32 $8.000000000e+00, v11;
	v14 =	vmul.f32 $7.500000000e+00, v2;
	v15 =	vmul.f32 $7.500000000e+00, v6  }
0xf0: {  	v12 =	vadd.f32 $8.000000000e+00, v12;
	v13 =	vadd.f32 $8.000000000e+00, v13;
	v7 =	vmul.f32 $1.333333400e-01, v7  }
0xf1: {  	v14 =	vadd.f32 $8.000000000e+00, v14;
	v9 =	vmax.f32 v9, $5.000000000e-01;
	v15 =	vadd.f32 $8.000000000e+00, v15  }
0xf2: {  	v8 =	vand.u32 $0x7FFFFFFF, v8;
	v10 =	vmax.f32 v10, $5.000000000e-01;
	v7 =	vadd.f32 $-1.000000000e+00, v7  }
0xf3: {  	vm0 =	vlt.f32 v8, $9.999999970e-07;
	v11 =	vmax.f32 v11, $5.000000000e-01;
	v12 =	vmax.f32 v12, $5.000000000e-01  }
0xf4: {  	v8 =	vmax.f32 v13, $5.000000000e-01;
	v13 =	vmax.f32 v14, $5.000000000e-01;
	v7 =	vsel vm0, $0x0, v7  }
0xf5: {  	v10 =	vmin.f32 v10, $1.550000000e+01;
	v9 =	vmin.f32 v9, $1.550000000e+01;
	v14 =	vmax.f32 v15, $5.000000000e-01;
	[tilespmem:s21+$0xC0B0] =	vst v7  }
0xf6: {  	v8 =	vmin.f32 v8, $1.550000000e+01;
	v7 =	vmin.f32 v11, $1.550000000e+01;
	v11 =	vmin.f32 v12, $1.550000000e+01  }
0xf7: {  	v9 =	vtrunc.f32 v9;
	v12 =	vmin.f32 v13, $1.550000000e+01;
	v13 =	vmin.f32 v14, $1.550000000e+01  }
0xf8: {  	v3 =	vand.u32 $0x7FFFFFFF, v3;
	v10 =	vtrunc.f32 v10;
	v7 =	vtrunc.f32 v7  }
0xf9: {  	v8 =	vtrunc.f32 v8;
	v14 =	vand.u32 $0x7FFFFFFF, v0;
	v0 =	vtrunc.f32 v11  }
0xfa: {  	v5 =	vand.u32 $0x7FFFFFFF, v5;
	v11 =	vtrunc.f32 v12;
	v12 =	vtrunc.f32 v13  }
0xfb: {  	v10 =	vcvt.f32.s32 v10;
	v9 =	vcvt.f32.s32 v9;
	v13 =	vand.u32 $0x7FFFFFFF, v1  }
0xfc: {  	v15 =	vand.u32 $0x7FFFFFFF, v2;
	v1 =	vcvt.f32.s32 v7;
	v7 =	vcvt.f32.s32 v0  }
0xfd: {  	v2 =	vcvt.f32.s32 v8;
	v8 =	vcvt.f32.s32 v11;
	v0 =	vand.u32 $0x7FFFFFFF, v6  }
0xfe: {  	vm3 =	vlt.f32 v4, $9.999999970e-07;
	v6 =	vcvt.s32.f32 v9;
	v4 =	vcvt.f32.s32 v12  }
.Ltmp6:
0xff: {  	vm0 =	vlt.f32 v3, $9.999999970e-07;
	v9 =	vcvt.s32.f32 v10;
	v10 =	vcvt.s32.f32 v1;
	(pc) =	sbr.rel @p0 .LBB2_9-.Ltmp6, $4  }
0x100: {  	v2 =	vcvt.s32.f32 v2;
	vm1 =	vlt.f32 v14, $9.999999970e-07;
	v11 =	vcvt.s32.f32 v7  }
0x101: {  	vm2 =	vlt.f32 v5, $9.999999970e-07;
	v3 =	vcvt.s32.f32 v8;
	v1 =	vcvt.s32.f32 v4  }
0x102: {  	vm4 =	vlt.f32 v13, $9.999999970e-07;
	v6 =	vmul.f32 $1.333333400e-01, v6;
	v4 =	vmul.f32 $1.333333400e-01, v9  }
0x103: {  	s22 =	sshra.s32 s23, $0x2;
	s23 =	sadd.s32 $0x400, s23;
	vm5 =	vlt.f32 v15, $9.999999970e-07;
	v7 =	vmul.f32 $1.333333400e-01, v10;
	v5 =	vmul.f32 $1.333333400e-01, v11  }
0x104: {  	v8 =	vld [tilespmem:s22+$0x40B0]  }
0x105: {  	v9 =	vld [tilespmem:s22+$0x4000]  }
0x106: {  	v6 =	vadd.f32 $-1.000000000e+00, v6;
	v10 =	vld [tilespmem:s22+$0x4010];
	v2 =	vmul.f32 $1.333333400e-01, v2;
	v3 =	vmul.f32 $1.333333400e-01, v3  }
0x107: {  	v11 =	vld [tilespmem:s22+$0x4020];
	v4 =	vadd.f32 $-1.000000000e+00, v4;
	v1 =	vmul.f32 $1.333333400e-01, v1;
	vm7 =	vlt.f32 v0, $9.999999970e-07  }
0x108: {  	v12 =	vld [tilespmem:s22+$0x4030];
	v7 =	vadd.f32 $-1.000000000e+00, v7;
	v5 =	vadd.f32 $-1.000000000e+00, v5;
	v6 =	vsel vm3, $0x0, v6  }
0x109: {  	v2 =	vadd.f32 $-1.000000000e+00, v2;
	v31 =	vadd.f32 $-1.000000000e+00, v3;
	v32 =	vsel vm0, $0x0, v4  }
0x10a: {  	v1 =	vadd.f32 $-1.000000000e+00, v1;
	v34 =	vsel vm1, $0x0, v7;
	v5 =	vsel vm2, $0x0, v5  }
0x10b: {  	[tilespmem:s21+$0xC000] =	vst v6;
	v2 =	vsel vm4, $0x0, v2;
	v0 =	vsel vm5, $0x0, v31;
	v35 =	vmax.f32 v8, $-1.000000010e-01  }
0x10c: {  	v33 =	vld [tilespmem:s22+$0x4080];
	v13 =	vmax.f32 v9, $-1.000000010e-01;
	v38 =	vmax.f32 v10, $-1.000000010e-01;
	v40 =	vmax.f32 v11, $-1.000000010e-01  }
0x10d: {  	v41 =	vmax.f32 v12, $-1.000000010e-01;
	v3 =	vmin.f32 v35, $1.000000010e-01;
	v37 =	vmin.f32 v13, $1.000000010e-01  }
0x10e: {  	[tilespmem:s21+$0xC010] =	vst v32;
	v39 =	vmin.f32 v38, $1.000000010e-01;
	v42 =	vmin.f32 v41, $1.000000010e-01;
	v3 =	vsub.f32 v8, v3  }
0x10f: {  	v36 =	vld [tilespmem:s22+$0x4090];
	v6 =	vsub.f32 v9, v37;
	v9 =	vmin.f32 v40, $1.000000010e-01;
	v8 =	vsub.f32 v10, v39  }
0x110: {  	v1 =	vsel vm7, $0x0, v1;
	v10 =	vsub.f32 v12, v42;
	v9 =	vsub.f32 v11, v9  }
0x111: {  	[tilespmem:s21+$0xC020] =	vst v34;
	v15 =	vmul.f32 $7.500000000e+00, v3;
	v43 =	vmax.f32 v33, $-1.000000010e-01;
	v48 =	vmul.f32 $7.500000000e+00, v6  }
0x112: {  	v14 =	vld [tilespmem:s22+$0x40A0];
	v6 =	vand.u32 $0x7FFFFFFF, v6;
	v49 =	vmul.f32 $7.500000000e+00, v8;
	v3 =	vand.u32 $0x7FFFFFFF, v3  }
0x113: {  	v51 =	vmul.f32 $7.500000000e+00, v10;
	v8 =	vand.u32 $0x7FFFFFFF, v8;
	v10 =	vand.u32 $0x7FFFFFFF, v10  }
0x114: {  	v13 =	vmin.f32 v43, $1.000000010e-01;
	v16 =	vmax.f32 v36, $-1.000000010e-01;
	v50 =	vmul.f32 $7.500000000e+00, v9  }
0x115: {  	vm8 =	vlt.f32 v3, $9.999999970e-07;
	vm9 =	vlt.f32 v6, $9.999999970e-07;
	vm10 =	vlt.f32 v8, $9.999999970e-07  }
0x116: {  	v9 =	vand.u32 $0x7FFFFFFF, v9;
	vm12 =	vlt.f32 v10, $9.999999970e-07;
	v15 =	vadd.f32 $8.000000000e+00, v15  }
0x117: {  	v44 =	vmin.f32 v16, $1.000000010e-01;
	v45 =	vmax.f32 v14, $-1.000000010e-01;
	v4 =	vsub.f32 v33, v13  }
0x118: {  	v13 =	vadd.f32 $8.000000000e+00, v48;
	v16 =	vadd.f32 $8.000000000e+00, v51;
	vm11 =	vlt.f32 v9, $9.999999970e-07  }
0x119: {  	v46 =	vmin.f32 v45, $1.000000010e-01;
	v7 =	vsub.f32 v36, v44;
	v15 =	vmax.f32 v15, $5.000000000e-01  }
0x11a: {  	v12 =	vsub.f32 v14, v46;
	v14 =	vadd.f32 $8.000000000e+00, v49;
	v52 =	vmul.f32 $7.500000000e+00, v4  }
0x11b: {  	v13 =	vmax.f32 v13, $5.000000000e-01;
	v16 =	vmax.f32 v16, $5.000000000e-01;
	v47 =	vmin.f32 v15, $1.550000000e+01  }
0x11c: {  	v15 =	vadd.f32 $8.000000000e+00, v50;
	v53 =	vmul.f32 $7.500000000e+00, v7;
	v13 =	vmin.f32 v13, $1.550000000e+01  }
0x11d: {  	v16 =	vmin.f32 v16, $1.550000000e+01;
	v11 =	vtrunc.f32 v47;
	v54 =	vmul.f32 $7.500000000e+00, v12  }
0x11e: {  	v3 =	vadd.f32 $8.000000000e+00, v52;
	v14 =	vmax.f32 v14, $5.000000000e-01;
	v13 =	vtrunc.f32 v13  }
0x11f: {  	v16 =	vtrunc.f32 v16;
	v11 =	vcvt.f32.s32 v11;
	v6 =	vadd.f32 $8.000000000e+00, v53  }
0x120: {  	v15 =	vmax.f32 v15, $5.000000000e-01;
	v14 =	vmin.f32 v14, $1.550000000e+01;
	v13 =	vcvt.f32.s32 v13  }
0x121: {  	v16 =	vcvt.f32.s32 v16;
	v8 =	vadd.f32 $8.000000000e+00, v54;
	v3 =	vmax.f32 v3, $5.000000000e-01  }
0x122: {  	v15 =	vmin.f32 v15, $1.550000000e+01;
	v14 =	vtrunc.f32 v14;
	v11 =	vcvt.s32.f32 v11  }
0x123: {  	v6 =	vmax.f32 v6, $5.000000000e-01;
	v15 =	vtrunc.f32 v15;
	v14 =	vcvt.f32.s32 v14  }
0x124: {  	v3 =	vmin.f32 v3, $1.550000000e+01;
	v13 =	vcvt.s32.f32 v13;
	v55 =	vcvt.s32.f32 v16  }
0x125: {  	v6 =	vmin.f32 v6, $1.550000000e+01;
	v3 =	vtrunc.f32 v3;
	v15 =	vcvt.f32.s32 v15  }
0x126: {  	v4 =	vand.u32 $0x7FFFFFFF, v4;
	v11 =	vmul.f32 $1.333333400e-01, v11;
	v6 =	vtrunc.f32 v6  }
0x127: {  	v8 =	vmax.f32 v8, $5.000000000e-01;
	v3 =	vcvt.f32.s32 v3;
	v14 =	vcvt.s32.f32 v14  }
0x128: {  	[tilespmem:s21+$0xC030] =	vst v5;
	v8 =	vmin.f32 v8, $1.550000000e+01;
	v56 =	vmul.f32 $1.333333400e-01, v13;
	v5 =	vmul.f32 $1.333333400e-01, v55  }
0x129: {  	v7 =	vand.u32 $0x7FFFFFFF, v7;
	v8 =	vtrunc.f32 v8;
	v6 =	vcvt.f32.s32 v6  }
0x12a: {  	vm13 =	vlt.f32 v4, $9.999999970e-07;
	v15 =	vcvt.s32.f32 v15;
	v8 =	vcvt.f32.s32 v8  }
0x12b: {  	[tilespmem:s21+$0xC080] =	vst v2;
	v11 =	vadd.f32 $-1.000000000e+00, v11;
	v57 =	vcvt.s32.f32 v3;
	v58 =	vmul.f32 $1.333333400e-01, v14  }
0x12c: {  	[tilespmem:s21+$0xC090] =	vst v0;
	v9 =	vadd.f32 $-1.000000000e+00, v56;
	v5 =	vadd.f32 $-1.000000000e+00, v5;
	v59 =	vcvt.s32.f32 v6  }
0x12d: {  	[tilespmem:s21+$0xC0A0] =	vst v1;
	v60 =	vmul.f32 $1.333333400e-01, v15;
	v11 =	vsel vm8, $0x0, v11;
	v61 =	vcvt.s32.f32 v8  }
0x12e: {  	v3 =	vadd.f32 $-1.000000000e+00, v58;
	v2 =	vmul.f32 $1.333333400e-01, v57;
	v62 =	vsel vm9, $0x0, v9;
	[tilespmem:s22+$0xC0B0] =	vst v11  }
0x12f: {  	v63 =	vsel vm12, $0x0, v5;
	v6 =	vadd.f32 $-1.000000000e+00, v60;
	v0 =	vmul.f32 $1.333333400e-01, v59;
	[tilespmem:s22+$0xC000] =	vst v62  }
0x130: {  	[tilespmem:s22+$0xC030] =	vst v63;
	v3 =	vsel vm10, $0x0, v3;
	v1 =	vmul.f32 $1.333333400e-01, v61;
	v2 =	vadd.f32 $-1.000000000e+00, v2  }
0x131: {  	p0 =	seq.s32 s17, $0x7;
	v12 =	vand.u32 $0x7FFFFFFF, v12;
	v6 =	vsel vm11, $0x0, v6;
	[tilespmem:s22+$0xC010] =	vst v3;
	v0 =	vadd.f32 $-1.000000000e+00, v0  }
.Ltmp7:
0x132: {  	vm14 =	vlt.f32 v7, $9.999999970e-07;
	[tilespmem:s22+$0xC020] =	vst v6;
	v1 =	vadd.f32 $-1.000000000e+00, v1;
	v2 =	vsel vm13, $0x0, v2;
	(pc) =	sbr.rel @p0 .LBB2_12-.Ltmp7, $4  }
0x133: {  	s20 =	sadd.s32 s20, s6;
	vm15 =	vlt.f32 v12, $9.999999970e-07;
	v0 =	vsel vm14, $0x0, v0;
	[tilespmem:s22+$0xC080] =	vst v2  }
0x134: {  	s19 =	sadd.s32 s19, s20;
	v1 =	vsel vm15, $0x0, v1;
	[tilespmem:s22+$0xC090] =	vst v0  }
0x135: {  	s19 =	sadd.s32 $0x800, s19;
	[tilespmem:s22+$0xC0A0] =	vst v1  }
0x136: {  	[hbm4b:s19+s2] =	stream.linear.scatter [tilespmem:s14], [sflag:$0x4], $0x4000, $0x38;
	[tilespmem:$0x10000] =	vst v63  }
0x137: {  	s18 =	sadd.s32 $0x3, s18  }
.Ltmp8:
0x138: {  	s19 =	sshrl.u32 s18, $0x3;
	s18 =	sshll.u32 s18, $0xB;
	(pc) =	sbr.rel .LBB2_2-.Ltmp8, $4  }
0x139: {  	s19 =	sadd.s32 s3, s19;
	s18 =	sand.u32 $0x3800, s18  }
0x13a: {  	s19 =	sshll.u32 s19, $0xE;
	s18 =	sadd.s32 s4, s18  }
0x13b: {  	s17 =	sadd.s32 $0x1, s17;
	s18 =	sadd.s32 s19, s18  }
0x13c: {  	[tilespmem:s9], [sflag:$0x2] =	stream.linear.gather [hbm4b:s18+s2], $0x4000, $0x38;
	[tilespmem:$0x10000] =	vst v63  }
.LBB2_13:
0x13d: {  	_ =	sfence.sel $0x180000  }
0x13e: {  	[bflag:$0x0] =	sbarrier.arrive $0xFFFF  }
0x13f: {  	p0 =	sne.s32 s1, $0x0;
	_ =	strace $0x90000047  }
0x140: {  	s0 =	sadd.s32 @!p0 $0x100000, s0;
	[bflag:$0x2] =	sbarrier.arrive $0xFFFF  }
0x141: {  	[sflag:s0] =	ssyncadd.tile.s32 @!p0 $0x1;
	_ =	shalt  }
.Lfunc_end2:
_tile_overlayer_lowered:
.L_overlay_start_2:
0x142: {  	(tag) =	ssettag $0x2  }
0x143: {  	s0 =	rddreg [dreg:$0x0];
	s2 =	stileid.u32  }
0x144: {  	s1 =	rddreg [dreg:$0x1];
	p0 =	sne.s32 s2, $0x0  }
0x145: {  	s3 =	rddreg [dreg:$0x2];
	[bflag:$0x3] =	sbarrier.arrive $0xFFFF;
	s2 =	simm.s32 @!p0 $0x1C05  }
0x146: {  	[timem:s3], [sflag:s2] =	dma.local @!p0 [hbm:s0], s1  }
0x147: {  	s0 =	simm.s32 @!p0 $0x5  }
0x148: {  	_ =	swait.ge @!p0 [sflag:s0], s1  }
0x149: {  	s1 =	ssub.s32 @!p0 $0x0, s1;
	[sflag:s0] =	ssyncset.done @!p0 $0x0  }
0x14a: {  	[sflag:s0] =	ssyncadd.s32 @!p0 s1  }
0x14b: {  	[bflag:$0x3] =	sbarrier.arrive $0xFFFF  }
0x14c: {  	_ =	shalt  }

</sc_bundles>
